<compile_context>
chip_gen: v7x
topology: tpu7x:2x2x1
jax: 0.10.2.dev20260603
libtpu: 0.0.44.dev20260713+nightly
codegen_flags: <defaults>
</compile_context>

<pallas_src>
import functools

import jax
import jax.numpy as jnp
from jax import lax
from jax.experimental import pallas as pl
from jax.experimental.pallas import tpu as pltpu
from jax.experimental.pallas import tpu_sc as plsc

C = 512
N_TOTAL = 64 * 2048
NC, NS, L = 2, 16, 16
NW = NC * NS
CHUNK = N_TOTAL // NW
NVEC = CHUNK // L


def _prep_body(ccol_ref, crow_ref, out_ref):
    cC = jnp.broadcast_to(ccol_ref[:, 0:1], (C, C))
    cR = jnp.broadcast_to(crow_ref[0:1, :], (C, C))
    iR = lax.broadcasted_iota(jnp.int32, (C, C), 1)
    iC = lax.broadcasted_iota(jnp.int32, (C, C), 0)
    before = (cR < cC) | ((cR == cC) & (iR < iC))
    rank = jnp.sum(before.astype(jnp.float32), axis=1, keepdims=True)
    rank_b = jnp.broadcast_to(rank, (C, C))
    iR_f = iR.astype(jnp.float32)
    k1 = (rank_b == iR_f).astype(jnp.float32)
    k2 = (rank_b == iR_f + 1.0).astype(jnp.float32)
    sorted_row = jnp.sum(k1 * cC, axis=0, keepdims=True)
    next_row = jnp.sum(k2 * cC, axis=0, keepdims=True)
    mid_row = 0.5 * (sorted_row + next_row)
    lane = lax.broadcasted_iota(jnp.int32, (1, C), 1)
    mid_row = jnp.where(lane == C - 1, jnp.float32(jnp.inf), mid_row)
    out_ref[...] = jnp.concatenate(
        [jnp.broadcast_to(sorted_row, (4, C)),
         jnp.broadcast_to(mid_row, (4, C))], axis=0)


_prep = pl.pallas_call(
    _prep_body,
    out_shape=jax.ShapeDtypeStruct((8, C), jnp.float32),
)


_QUANT_CACHE = []


def _get_quantize():
    if _QUANT_CACHE:
        return _QUANT_CACHE[0]

    @functools.partial(
        pl.kernel,
        mesh=plsc.VectorSubcoreMesh(core_axis_name="c", subcore_axis_name="s"),
        compiler_params=pltpu.CompilerParams(needs_layout_passes=False),
        out_type=jax.ShapeDtypeStruct((N_TOTAL,), jnp.float32),
        scratch_types=[
            pltpu.VMEM((CHUNK,), jnp.float32),
            pltpu.VMEM((C,), jnp.float32),
            pltpu.VMEM((C,), jnp.float32),
            pltpu.VMEM((CHUNK,), jnp.float32),
        ],
    )
    def _quantize(x_hbm, sorted_hbm, mid_hbm, out_hbm, xv, sv, mv, qv):
        wid = lax.axis_index("s") * NC + lax.axis_index("c")
        base = wid * CHUNK
        pltpu.sync_copy(x_hbm.at[pl.ds(base, CHUNK)], xv)
        pltpu.sync_copy(sorted_hbm, sv)
        pltpu.sync_copy(mid_hbm, mv)

        TOP = 16
        STEP0 = C // TOP
        splats = [
            plsc.load_gather(mv, [jnp.full((L,), j * STEP0 + STEP0 - 1,
                                           jnp.int32)])
            for j in range(TOP - 1)
        ]

        def search(xvec):
            pos = jnp.zeros((L,), jnp.int32)
            for sp in splats:
                pos = pos + jnp.where(sp < xvec, STEP0, 0)
            step = STEP0 // 2
            while step >= 1:
                mvals = plsc.load_gather(mv, [pos + (step - 1)])
                pos = jnp.where(mvals < xvec, pos + step, pos)
                step //= 2
            return plsc.load_gather(sv, [pos])

        UNROLL = 4
        def body(i, carry):
            b0 = i * (UNROLL * L)
            xvecs = [xv[pl.ds(b0 + u * L, L)] for u in range(UNROLL)]
            qvals = [search(xu) for xu in xvecs]
            for u in range(UNROLL):
                qv[pl.ds(b0 + u * L, L)] = qvals[u]
            return carry

        lax.fori_loop(0, NVEC // UNROLL, body, 0)
        pltpu.sync_copy(qv, out_hbm.at[pl.ds(base, CHUNK)])

    _QUANT_CACHE.append(_quantize)
    return _quantize


def _mm_body(qx_ref, w_ref, b_ref, out_ref):
    acc = lax.dot_general(
        qx_ref[...], w_ref[...], (((1,), (1,)), ((), ())),
        preferred_element_type=jnp.float32)
    out_ref[...] = acc + jnp.broadcast_to(b_ref[0:1, :], acc.shape)


def kernel(x, centers, W, b):
    ccol = jnp.broadcast_to(centers, (C, 128))
    crow = jnp.broadcast_to(centers.reshape(1, C), (8, C))
    prep = _prep(ccol, crow)
    sorted_c = prep[0]
    mid = prep[4]
    qx = _get_quantize()(x.reshape(-1), sorted_c, mid).reshape(x.shape)
    b2 = jnp.broadcast_to(b.reshape(1, -1), (8, b.shape[0]))
    out = pl.pallas_call(
        _mm_body,
        out_shape=jax.ShapeDtypeStruct((x.shape[0], W.shape[0]), jnp.float32),
    )(qx, W, b2)
    return out

# --- scband reference (transcript-rebuilt; emitter-appended) ---
"""Pipeline reference for scband-quantized-classifier-52381421142731 (READ-ONLY COPY).

The authoritative reference and input builder live on the scoring server;
editing this copy changes nothing except your own understanding.
"""

import jax, jax.numpy as jnp
import numpy as np

TEMP = 0.1

def setup_inputs(seed: int = 0) -> dict:
    key = jax.random.key(seed)
    k_x, k_c, k_w = jax.random.split(key, 3)
    x = jax.random.normal(k_x, (64, 2048), dtype=jnp.float32)
    centers = jax.random.normal(k_c, (512, 1), dtype=jnp.float32)
    W = jax.random.normal(k_w, (1000, 2048), dtype=jnp.float32) * 0.02
    b = jnp.zeros((1000,), dtype=jnp.float32)
    return {"x": x, "centers": centers, "W": W, "b": b}

def _squared_distance(xf, centers):
    # xf: (N, D), centers: (C, D) -> (N, C); here D == 1
    x_sq = jnp.sum(xf * xf, axis=1, keepdims=True)
    c_sq = jnp.sum(centers * centers, axis=1)
    return x_sq - 2.0 * (xf @ centers.T) + c_sq[None, :]

def _quantize(x, centers, temp):
    xf = x.reshape(-1, 1)
    dists = _squared_distance(xf, centers) / temp
    idx = jnp.argmin(dists, axis=1)
    groups = jax.nn.one_hot(idx, centers.shape[0], dtype=x.dtype)  # Argmin.forward: scatter one-hot at argmin
    qx = (groups @ centers).reshape(x.shape)
    return qx

def reference(x, centers, W, b):
    qx = _quantize(x, centers, TEMP)
    # model: Linear(2048 -> 1000)
    out = qx @ W.T + b
    return out

if __name__ == "__main__":
    import jax
    _d = setup_inputs()
    print(jax.jit(kernel)(*tuple(_d.values())))

</pallas_src>

<mosaic_0001>
#map = affine_map<(d0, d1) -> (0)>
module attributes {stable_mosaic.version = 14 : i64} {
  func.func @_quantize(%arg0: i32, %arg1: i32, %arg2: memref<131072xf32, #tpu.memory_space<hbm>>, %arg3: memref<512xf32, #tpu.memory_space<hbm>>, %arg4: memref<512xf32, #tpu.memory_space<hbm>>, %arg5: memref<131072xf32, #tpu.memory_space<hbm>>, %arg6: memref<4096xf32, #tpu.memory_space<vmem>>, %arg7: memref<512xf32, #tpu.memory_space<vmem>>, %arg8: memref<512xf32, #tpu.memory_space<vmem>>, %arg9: memref<4096xf32, #tpu.memory_space<vmem>>) attributes {dimension_semantics = [#tpu.dimension_semantics<core_parallel>, #tpu.dimension_semantics<subcore_parallel>], iteration_bounds = array<i64: 2, 16>, scalar_prefetch = 0 : i64, scratch_operands = 4 : i64, tpu.core_type = #tpu.core_type<sc_vector_subcore>, window_params = [{transform_indices = #map}, {transform_indices = #map}, {transform_indices = #map}, {transform_indices = #map}]} {
    %mul3A = arith.constant 2 : i32
    %mul3A_0 = arith.muli %arg1, %mul3A : i32
    %add3A = arith.addi %mul3A_0, %arg0 : i32
    %mul3A_1 = arith.constant 4096 : i32
    %mul3A_2 = arith.muli %add3A, %mul3A_1 : i32
    "tpu.region"() ({
      %run_scoped3A = tpu.sem_alloc : memref<!tpu.dma_semaphore, #tpu.memory_space<semaphore_mem>>
      %dma_start3A = tpu.memref_slice %arg2[%mul3A_2] : memref<131072xf32, #tpu.memory_space<hbm>> -> memref<4096xf32, #tpu.memory_space<hbm>>
      %dma_start3A_51 = tpu.memref_slice %arg2[%mul3A_2] : memref<131072xf32, #tpu.memory_space<hbm>> -> memref<4096xf32, #tpu.memory_space<hbm>>
      tpu.enqueue_dma source(%dma_start3A_51 : memref<4096xf32, #tpu.memory_space<hbm>>) target(%arg6 : memref<4096xf32, #tpu.memory_space<vmem>>) target_semaphore(%run_scoped3A : memref<!tpu.dma_semaphore, #tpu.memory_space<semaphore_mem>>)
      %dma_wait3A = tpu.memref_slice %arg2[%mul3A_2] : memref<131072xf32, #tpu.memory_space<hbm>> -> memref<4096xf32, #tpu.memory_space<hbm>>
      %dma_wait3A_52 = tpu.memref_slice %arg2[%mul3A_2] : memref<131072xf32, #tpu.memory_space<hbm>> -> memref<4096xf32, #tpu.memory_space<hbm>>
      tpu.wait_dma2 semaphore(%run_scoped3A : memref<!tpu.dma_semaphore, #tpu.memory_space<semaphore_mem>>) src(%dma_wait3A_52 : memref<4096xf32, #tpu.memory_space<hbm>>) dst(%arg6 : memref<4096xf32, #tpu.memory_space<vmem>>)
      tpu.yield
    }) : () -> ()
    "tpu.region"() ({
      %run_scoped3A = tpu.sem_alloc : memref<!tpu.dma_semaphore, #tpu.memory_space<semaphore_mem>>
      tpu.enqueue_dma source(%arg3 : memref<512xf32, #tpu.memory_space<hbm>>) target(%arg7 : memref<512xf32, #tpu.memory_space<vmem>>) target_semaphore(%run_scoped3A : memref<!tpu.dma_semaphore, #tpu.memory_space<semaphore_mem>>)
      tpu.wait_dma2 semaphore(%run_scoped3A : memref<!tpu.dma_semaphore, #tpu.memory_space<semaphore_mem>>) src(%arg3 : memref<512xf32, #tpu.memory_space<hbm>>) dst(%arg7 : memref<512xf32, #tpu.memory_space<vmem>>)
      tpu.yield
    }) : () -> ()
    "tpu.region"() ({
      %run_scoped3A = tpu.sem_alloc : memref<!tpu.dma_semaphore, #tpu.memory_space<semaphore_mem>>
      tpu.enqueue_dma source(%arg4 : memref<512xf32, #tpu.memory_space<hbm>>) target(%arg8 : memref<512xf32, #tpu.memory_space<vmem>>) target_semaphore(%run_scoped3A : memref<!tpu.dma_semaphore, #tpu.memory_space<semaphore_mem>>)
      tpu.wait_dma2 semaphore(%run_scoped3A : memref<!tpu.dma_semaphore, #tpu.memory_space<semaphore_mem>>) src(%arg4 : memref<512xf32, #tpu.memory_space<hbm>>) dst(%arg8 : memref<512xf32, #tpu.memory_space<vmem>>)
      tpu.yield
    }) : () -> ()
    %broadcast_in_dim3A = arith.constant 31 : i32
    %broadcast_in_dim3A_3 = vector.broadcast %broadcast_in_dim3A : i32 to vector<16xi32>
    %gather3A = tpu.vector_load_idx %arg8[%broadcast_in_dim3A_3] : memref<512xf32, #tpu.memory_space<vmem>>[vector<16xi32>], vector<16xf32>,
    %broadcast_in_dim3A_4 = arith.constant 63 : i32
    %broadcast_in_dim3A_5 = vector.broadcast %broadcast_in_dim3A_4 : i32 to vector<16xi32>
    %gather3A_6 = tpu.vector_load_idx %arg8[%broadcast_in_dim3A_5] : memref<512xf32, #tpu.memory_space<vmem>>[vector<16xi32>], vector<16xf32>,
    %broadcast_in_dim3A_7 = arith.constant 95 : i32
    %broadcast_in_dim3A_8 = vector.broadcast %broadcast_in_dim3A_7 : i32 to vector<16xi32>
    %gather3A_9 = tpu.vector_load_idx %arg8[%broadcast_in_dim3A_8] : memref<512xf32, #tpu.memory_space<vmem>>[vector<16xi32>], vector<16xf32>,
    %broadcast_in_dim3A_10 = arith.constant 127 : i32
    %broadcast_in_dim3A_11 = vector.broadcast %broadcast_in_dim3A_10 : i32 to vector<16xi32>
    %gather3A_12 = tpu.vector_load_idx %arg8[%broadcast_in_dim3A_11] : memref<512xf32, #tpu.memory_space<vmem>>[vector<16xi32>], vector<16xf32>,
    %broadcast_in_dim3A_13 = arith.constant 159 : i32
    %broadcast_in_dim3A_14 = vector.broadcast %broadcast_in_dim3A_13 : i32 to vector<16xi32>
    %gather3A_15 = tpu.vector_load_idx %arg8[%broadcast_in_dim3A_14] : memref<512xf32, #tpu.memory_space<vmem>>[vector<16xi32>], vector<16xf32>,
    %broadcast_in_dim3A_16 = arith.constant 191 : i32
    %broadcast_in_dim3A_17 = vector.broadcast %broadcast_in_dim3A_16 : i32 to vector<16xi32>
    %gather3A_18 = tpu.vector_load_idx %arg8[%broadcast_in_dim3A_17] : memref<512xf32, #tpu.memory_space<vmem>>[vector<16xi32>], vector<16xf32>,
    %broadcast_in_dim3A_19 = arith.constant 223 : i32
    %broadcast_in_dim3A_20 = vector.broadcast %broadcast_in_dim3A_19 : i32 to vector<16xi32>
    %gather3A_21 = tpu.vector_load_idx %arg8[%broadcast_in_dim3A_20] : memref<512xf32, #tpu.memory_space<vmem>>[vector<16xi32>], vector<16xf32>,
    %broadcast_in_dim3A_22 = arith.constant 255 : i32
    %broadcast_in_dim3A_23 = vector.broadcast %broadcast_in_dim3A_22 : i32 to vector<16xi32>
    %gather3A_24 = tpu.vector_load_idx %arg8[%broadcast_in_dim3A_23] : memref<512xf32, #tpu.memory_space<vmem>>[vector<16xi32>], vector<16xf32>,
    %broadcast_in_dim3A_25 = arith.constant 287 : i32
    %broadcast_in_dim3A_26 = vector.broadcast %broadcast_in_dim3A_25 : i32 to vector<16xi32>
    %gather3A_27 = tpu.vector_load_idx %arg8[%broadcast_in_dim3A_26] : memref<512xf32, #tpu.memory_space<vmem>>[vector<16xi32>], vector<16xf32>,
    %broadcast_in_dim3A_28 = arith.constant 319 : i32
    %broadcast_in_dim3A_29 = vector.broadcast %broadcast_in_dim3A_28 : i32 to vector<16xi32>
    %gather3A_30 = tpu.vector_load_idx %arg8[%broadcast_in_dim3A_29] : memref<512xf32, #tpu.memory_space<vmem>>[vector<16xi32>], vector<16xf32>,
    %broadcast_in_dim3A_31 = arith.constant 351 : i32
    %broadcast_in_dim3A_32 = vector.broadcast %broadcast_in_dim3A_31 : i32 to vector<16xi32>
    %gather3A_33 = tpu.vector_load_idx %arg8[%broadcast_in_dim3A_32] : memref<512xf32, #tpu.memory_space<vmem>>[vector<16xi32>], vector<16xf32>,
    %broadcast_in_dim3A_34 = arith.constant 383 : i32
    %broadcast_in_dim3A_35 = vector.broadcast %broadcast_in_dim3A_34 : i32 to vector<16xi32>
    %gather3A_36 = tpu.vector_load_idx %arg8[%broadcast_in_dim3A_35] : memref<512xf32, #tpu.memory_space<vmem>>[vector<16xi32>], vector<16xf32>,
    %broadcast_in_dim3A_37 = arith.constant 415 : i32
    %broadcast_in_dim3A_38 = vector.broadcast %broadcast_in_dim3A_37 : i32 to vector<16xi32>
    %gather3A_39 = tpu.vector_load_idx %arg8[%broadcast_in_dim3A_38] : memref<512xf32, #tpu.memory_space<vmem>>[vector<16xi32>], vector<16xf32>,
    %broadcast_in_dim3A_40 = arith.constant 447 : i32
    %broadcast_in_dim3A_41 = vector.broadcast %broadcast_in_dim3A_40 : i32 to vector<16xi32>
    %gather3A_42 = tpu.vector_load_idx %arg8[%broadcast_in_dim3A_41] : memref<512xf32, #tpu.memory_space<vmem>>[vector<16xi32>], vector<16xf32>,
    %broadcast_in_dim3A_43 = arith.constant 479 : i32
    %broadcast_in_dim3A_44 = vector.broadcast %broadcast_in_dim3A_43 : i32 to vector<16xi32>
    %gather3A_45 = tpu.vector_load_idx %arg8[%broadcast_in_dim3A_44] : memref<512xf32, #tpu.memory_space<vmem>>[vector<16xi32>], vector<16xf32>,
    %scan3A = arith.constant 0 : i32
    %scan3A_46 = arith.constant 0 : i32
    %scan3A_47 = arith.constant 64 : i32
    %scan3A_48 = arith.addi %scan3A_46, %scan3A_47 : i32
    %scan3A_49 = arith.constant 1 : i32
    scf.for %scan3A_51 = %scan3A_46 to %scan3A_48 step %scan3A_49  : i32 {
      %mul3A_52 = arith.constant 64 : i32
      %mul3A_53 = arith.muli %scan3A_51, %mul3A_52 : i32
      %add3A_54 = arith.constant 0 : i32
      %add3A_55 = arith.addi %mul3A_53, %add3A_54 : i32
      %get3A = arith.index_cast %add3A_55 : i32 to index
      %get3A_56 = tpu.vector_load %arg6[%get3A] {strides = array<i32>} : memref<4096xf32, #tpu.memory_space<vmem>>, vector<16xf32>,
      %add3A_57 = arith.constant 16 : i32
      %add3A_58 = arith.addi %mul3A_53, %add3A_57 : i32
      %get3A_59 = arith.index_cast %add3A_58 : i32 to index
      %get3A_60 = tpu.vector_load %arg6[%get3A_59] {strides = array<i32>} : memref<4096xf32, #tpu.memory_space<vmem>>, vector<16xf32>,
      %add3A_61 = arith.constant 32 : i32
      %add3A_62 = arith.addi %mul3A_53, %add3A_61 : i32
      %get3A_63 = arith.index_cast %add3A_62 : i32 to index
      %get3A_64 = tpu.vector_load %arg6[%get3A_63] {strides = array<i32>} : memref<4096xf32, #tpu.memory_space<vmem>>, vector<16xf32>,
      %add3A_65 = arith.constant 48 : i32
      %add3A_66 = arith.addi %mul3A_53, %add3A_65 : i32
      %get3A_67 = arith.index_cast %add3A_66 : i32 to index
      %get3A_68 = tpu.vector_load %arg6[%get3A_67] {strides = array<i32>} : memref<4096xf32, #tpu.memory_space<vmem>>, vector<16xf32>,
      %broadcast_in_dim3A_69 = arith.constant 0 : i32
      %broadcast_in_dim3A_70 = vector.broadcast %broadcast_in_dim3A_69 : i32 to vector<16xi32>
      %lt3A = arith.cmpf olt, %gather3A, %get3A_56 : vector<16xf32>
      %jit3A = arith.constant 32 : i32
      %jit3A_71 = arith.constant 0 : i32
      %broadcast_in_dim3A_72 = vector.broadcast %jit3A : i32 to vector<16xi32>
      %broadcast_in_dim3A_73 = vector.broadcast %jit3A_71 : i32 to vector<16xi32>
      %select_n3A = arith.select %lt3A, %broadcast_in_dim3A_72, %broadcast_in_dim3A_73 : vector<16xi1>, vector<16xi32>
      %add3A_74 = arith.addi %broadcast_in_dim3A_70, %select_n3A : vector<16xi32>
      %lt3A_75 = arith.cmpf olt, %gather3A_6, %get3A_56 : vector<16xf32>
      %jit3A_76 = arith.constant 32 : i32
      %jit3A_77 = arith.constant 0 : i32
      %broadcast_in_dim3A_78 = vector.broadcast %jit3A_76 : i32 to vector<16xi32>
      %broadcast_in_dim3A_79 = vector.broadcast %jit3A_77 : i32 to vector<16xi32>
      %select_n3A_80 = arith.select %lt3A_75, %broadcast_in_dim3A_78, %broadcast_in_dim3A_79 : vector<16xi1>, vector<16xi32>
      %add3A_81 = arith.addi %add3A_74, %select_n3A_80 : vector<16xi32>
      %lt3A_82 = arith.cmpf olt, %gather3A_9, %get3A_56 : vector<16xf32>
      %jit3A_83 = arith.constant 32 : i32
      %jit3A_84 = arith.constant 0 : i32
      %broadcast_in_dim3A_85 = vector.broadcast %jit3A_83 : i32 to vector<16xi32>
      %broadcast_in_dim3A_86 = vector.broadcast %jit3A_84 : i32 to vector<16xi32>
      %select_n3A_87 = arith.select %lt3A_82, %broadcast_in_dim3A_85, %broadcast_in_dim3A_86 : vector<16xi1>, vector<16xi32>
      %add3A_88 = arith.addi %add3A_81, %select_n3A_87 : vector<16xi32>
      %lt3A_89 = arith.cmpf olt, %gather3A_12, %get3A_56 : vector<16xf32>
      %jit3A_90 = arith.constant 32 : i32
      %jit3A_91 = arith.constant 0 : i32
      %broadcast_in_dim3A_92 = vector.broadcast %jit3A_90 : i32 to vector<16xi32>
      %broadcast_in_dim3A_93 = vector.broadcast %jit3A_91 : i32 to vector<16xi32>
      %select_n3A_94 = arith.select %lt3A_89, %broadcast_in_dim3A_92, %broadcast_in_dim3A_93 : vector<16xi1>, vector<16xi32>
      %add3A_95 = arith.addi %add3A_88, %select_n3A_94 : vector<16xi32>
      %lt3A_96 = arith.cmpf olt, %gather3A_15, %get3A_56 : vector<16xf32>
      %jit3A_97 = arith.constant 32 : i32
      %jit3A_98 = arith.constant 0 : i32
      %broadcast_in_dim3A_99 = vector.broadcast %jit3A_97 : i32 to vector<16xi32>
      %broadcast_in_dim3A_100 = vector.broadcast %jit3A_98 : i32 to vector<16xi32>
      %select_n3A_101 = arith.select %lt3A_96, %broadcast_in_dim3A_99, %broadcast_in_dim3A_100 : vector<16xi1>, vector<16xi32>
      %add3A_102 = arith.addi %add3A_95, %select_n3A_101 : vector<16xi32>
      %lt3A_103 = arith.cmpf olt, %gather3A_18, %get3A_56 : vector<16xf32>
      %jit3A_104 = arith.constant 32 : i32
      %jit3A_105 = arith.constant 0 : i32
      %broadcast_in_dim3A_106 = vector.broadcast %jit3A_104 : i32 to vector<16xi32>
      %broadcast_in_dim3A_107 = vector.broadcast %jit3A_105 : i32 to vector<16xi32>
      %select_n3A_108 = arith.select %lt3A_103, %broadcast_in_dim3A_106, %broadcast_in_dim3A_107 : vector<16xi1>, vector<16xi32>
      %add3A_109 = arith.addi %add3A_102, %select_n3A_108 : vector<16xi32>
      %lt3A_110 = arith.cmpf olt, %gather3A_21, %get3A_56 : vector<16xf32>
      %jit3A_111 = arith.constant 32 : i32
      %jit3A_112 = arith.constant 0 : i32
      %broadcast_in_dim3A_113 = vector.broadcast %jit3A_111 : i32 to vector<16xi32>
      %broadcast_in_dim3A_114 = vector.broadcast %jit3A_112 : i32 to vector<16xi32>
      %select_n3A_115 = arith.select %lt3A_110, %broadcast_in_dim3A_113, %broadcast_in_dim3A_114 : vector<16xi1>, vector<16xi32>
      %add3A_116 = arith.addi %add3A_109, %select_n3A_115 : vector<16xi32>
      %lt3A_117 = arith.cmpf olt, %gather3A_24, %get3A_56 : vector<16xf32>
      %jit3A_118 = arith.constant 32 : i32
      %jit3A_119 = arith.constant 0 : i32
      %broadcast_in_dim3A_120 = vector.broadcast %jit3A_118 : i32 to vector<16xi32>
      %broadcast_in_dim3A_121 = vector.broadcast %jit3A_119 : i32 to vector<16xi32>
      %select_n3A_122 = arith.select %lt3A_117, %broadcast_in_dim3A_120, %broadcast_in_dim3A_121 : vector<16xi1>, vector<16xi32>
      %add3A_123 = arith.addi %add3A_116, %select_n3A_122 : vector<16xi32>
      %lt3A_124 = arith.cmpf olt, %gather3A_27, %get3A_56 : vector<16xf32>
      %jit3A_125 = arith.constant 32 : i32
      %jit3A_126 = arith.constant 0 : i32
      %broadcast_in_dim3A_127 = vector.broadcast %jit3A_125 : i32 to vector<16xi32>
      %broadcast_in_dim3A_128 = vector.broadcast %jit3A_126 : i32 to vector<16xi32>
      %select_n3A_129 = arith.select %lt3A_124, %broadcast_in_dim3A_127, %broadcast_in_dim3A_128 : vector<16xi1>, vector<16xi32>
      %add3A_130 = arith.addi %add3A_123, %select_n3A_129 : vector<16xi32>
      %lt3A_131 = arith.cmpf olt, %gather3A_30, %get3A_56 : vector<16xf32>
      %jit3A_132 = arith.constant 32 : i32
      %jit3A_133 = arith.constant 0 : i32
      %broadcast_in_dim3A_134 = vector.broadcast %jit3A_132 : i32 to vector<16xi32>
      %broadcast_in_dim3A_135 = vector.broadcast %jit3A_133 : i32 to vector<16xi32>
      %select_n3A_136 = arith.select %lt3A_131, %broadcast_in_dim3A_134, %broadcast_in_dim3A_135 : vector<16xi1>, vector<16xi32>
      %add3A_137 = arith.addi %add3A_130, %select_n3A_136 : vector<16xi32>
      %lt3A_138 = arith.cmpf olt, %gather3A_33, %get3A_56 : vector<16xf32>
      %jit3A_139 = arith.constant 32 : i32
      %jit3A_140 = arith.constant 0 : i32
      %broadcast_in_dim3A_141 = vector.broadcast %jit3A_139 : i32 to vector<16xi32>
      %broadcast_in_dim3A_142 = vector.broadcast %jit3A_140 : i32 to vector<16xi32>
      %select_n3A_143 = arith.select %lt3A_138, %broadcast_in_dim3A_141, %broadcast_in_dim3A_142 : vector<16xi1>, vector<16xi32>
      %add3A_144 = arith.addi %add3A_137, %select_n3A_143 : vector<16xi32>
      %lt3A_145 = arith.cmpf olt, %gather3A_36, %get3A_56 : vector<16xf32>
      %jit3A_146 = arith.constant 32 : i32
      %jit3A_147 = arith.constant 0 : i32
      %broadcast_in_dim3A_148 = vector.broadcast %jit3A_146 : i32 to vector<16xi32>
      %broadcast_in_dim3A_149 = vector.broadcast %jit3A_147 : i32 to vector<16xi32>
      %select_n3A_150 = arith.select %lt3A_145, %broadcast_in_dim3A_148, %broadcast_in_dim3A_149 : vector<16xi1>, vector<16xi32>
      %add3A_151 = arith.addi %add3A_144, %select_n3A_150 : vector<16xi32>
      %lt3A_152 = arith.cmpf olt, %gather3A_39, %get3A_56 : vector<16xf32>
      %jit3A_153 = arith.constant 32 : i32
      %jit3A_154 = arith.constant 0 : i32
      %broadcast_in_dim3A_155 = vector.broadcast %jit3A_153 : i32 to vector<16xi32>
      %broadcast_in_dim3A_156 = vector.broadcast %jit3A_154 : i32 to vector<16xi32>
      %select_n3A_157 = arith.select %lt3A_152, %broadcast_in_dim3A_155, %broadcast_in_dim3A_156 : vector<16xi1>, vector<16xi32>
      %add3A_158 = arith.addi %add3A_151, %select_n3A_157 : vector<16xi32>
      %lt3A_159 = arith.cmpf olt, %gather3A_42, %get3A_56 : vector<16xf32>
      %jit3A_160 = arith.constant 32 : i32
      %jit3A_161 = arith.constant 0 : i32
      %broadcast_in_dim3A_162 = vector.broadcast %jit3A_160 : i32 to vector<16xi32>
      %broadcast_in_dim3A_163 = vector.broadcast %jit3A_161 : i32 to vector<16xi32>
      %select_n3A_164 = arith.select %lt3A_159, %broadcast_in_dim3A_162, %broadcast_in_dim3A_163 : vector<16xi1>, vector<16xi32>
      %add3A_165 = arith.addi %add3A_158, %select_n3A_164 : vector<16xi32>
      %lt3A_166 = arith.cmpf olt, %gather3A_45, %get3A_56 : vector<16xf32>
      %jit3A_167 = arith.constant 32 : i32
      %jit3A_168 = arith.constant 0 : i32
      %broadcast_in_dim3A_169 = vector.broadcast %jit3A_167 : i32 to vector<16xi32>
      %broadcast_in_dim3A_170 = vector.broadcast %jit3A_168 : i32 to vector<16xi32>
      %select_n3A_171 = arith.select %lt3A_166, %broadcast_in_dim3A_169, %broadcast_in_dim3A_170 : vector<16xi1>, vector<16xi32>
      %add3A_172 = arith.addi %add3A_165, %select_n3A_171 : vector<16xi32>
      %add3A_173 = arith.constant 15 : i32
      %add3A_174 = vector.broadcast %add3A_173 : i32 to vector<16xi32>
      %add3A_175 = arith.addi %add3A_172, %add3A_174 : vector<16xi32>
      %gather3A_176 = tpu.vector_load_idx %arg8[%add3A_175] : memref<512xf32, #tpu.memory_space<vmem>>[vector<16xi32>], vector<16xf32>,
      %lt3A_177 = arith.cmpf olt, %gather3A_176, %get3A_56 : vector<16xf32>
      %add3A_178 = arith.constant 16 : i32
      %add3A_179 = vector.broadcast %add3A_178 : i32 to vector<16xi32>
      %add3A_180 = arith.addi %add3A_172, %add3A_179 : vector<16xi32>
      %select_n3A_181 = arith.select %lt3A_177, %add3A_180, %add3A_172 : vector<16xi1>, vector<16xi32>
      %add3A_182 = arith.constant 7 : i32
      %add3A_183 = vector.broadcast %add3A_182 : i32 to vector<16xi32>
      %add3A_184 = arith.addi %select_n3A_181, %add3A_183 : vector<16xi32>
      %gather3A_185 = tpu.vector_load_idx %arg8[%add3A_184] : memref<512xf32, #tpu.memory_space<vmem>>[vector<16xi32>], vector<16xf32>,
      %lt3A_186 = arith.cmpf olt, %gather3A_185, %get3A_56 : vector<16xf32>
      %add3A_187 = arith.constant 8 : i32
      %add3A_188 = vector.broadcast %add3A_187 : i32 to vector<16xi32>
      %add3A_189 = arith.addi %select_n3A_181, %add3A_188 : vector<16xi32>
      %select_n3A_190 = arith.select %lt3A_186, %add3A_189, %select_n3A_181 : vector<16xi1>, vector<16xi32>
      %add3A_191 = arith.constant 3 : i32
      %add3A_192 = vector.broadcast %add3A_191 : i32 to vector<16xi32>
      %add3A_193 = arith.addi %select_n3A_190, %add3A_192 : vector<16xi32>
      %gather3A_194 = tpu.vector_load_idx %arg8[%add3A_193] : memref<512xf32, #tpu.memory_space<vmem>>[vector<16xi32>], vector<16xf32>,
      %lt3A_195 = arith.cmpf olt, %gather3A_194, %get3A_56 : vector<16xf32>
      %add3A_196 = arith.constant 4 : i32
      %add3A_197 = vector.broadcast %add3A_196 : i32 to vector<16xi32>
      %add3A_198 = arith.addi %select_n3A_190, %add3A_197 : vector<16xi32>
      %select_n3A_199 = arith.select %lt3A_195, %add3A_198, %select_n3A_190 : vector<16xi1>, vector<16xi32>
      %add3A_200 = arith.constant 1 : i32
      %add3A_201 = vector.broadcast %add3A_200 : i32 to vector<16xi32>
      %add3A_202 = arith.addi %select_n3A_199, %add3A_201 : vector<16xi32>
      %gather3A_203 = tpu.vector_load_idx %arg8[%add3A_202] : memref<512xf32, #tpu.memory_space<vmem>>[vector<16xi32>], vector<16xf32>,
      %lt3A_204 = arith.cmpf olt, %gather3A_203, %get3A_56 : vector<16xf32>
      %add3A_205 = arith.constant 2 : i32
      %add3A_206 = vector.broadcast %add3A_205 : i32 to vector<16xi32>
      %add3A_207 = arith.addi %select_n3A_199, %add3A_206 : vector<16xi32>
      %select_n3A_208 = arith.select %lt3A_204, %add3A_207, %select_n3A_199 : vector<16xi1>, vector<16xi32>
      %add3A_209 = arith.constant 0 : i32
      %add3A_210 = vector.broadcast %add3A_209 : i32 to vector<16xi32>
      %add3A_211 = arith.addi %select_n3A_208, %add3A_210 : vector<16xi32>
      %gather3A_212 = tpu.vector_load_idx %arg8[%add3A_211] : memref<512xf32, #tpu.memory_space<vmem>>[vector<16xi32>], vector<16xf32>,
      %lt3A_213 = arith.cmpf olt, %gather3A_212, %get3A_56 : vector<16xf32>
      %add3A_214 = arith.constant 1 : i32
      %add3A_215 = vector.broadcast %add3A_214 : i32 to vector<16xi32>
      %add3A_216 = arith.addi %select_n3A_208, %add3A_215 : vector<16xi32>
      %select_n3A_217 = arith.select %lt3A_213, %add3A_216, %select_n3A_208 : vector<16xi1>, vector<16xi32>
      %gather3A_218 = tpu.vector_load_idx %arg7[%select_n3A_217] : memref<512xf32, #tpu.memory_space<vmem>>[vector<16xi32>], vector<16xf32>,
      %broadcast_in_dim3A_219 = arith.constant 0 : i32
      %broadcast_in_dim3A_220 = vector.broadcast %broadcast_in_dim3A_219 : i32 to vector<16xi32>
      %lt3A_221 = arith.cmpf olt, %gather3A, %get3A_60 : vector<16xf32>
      %jit3A_222 = arith.constant 32 : i32
      %jit3A_223 = arith.constant 0 : i32
      %broadcast_in_dim3A_224 = vector.broadcast %jit3A_222 : i32 to vector<16xi32>
      %broadcast_in_dim3A_225 = vector.broadcast %jit3A_223 : i32 to vector<16xi32>
      %select_n3A_226 = arith.select %lt3A_221, %broadcast_in_dim3A_224, %broadcast_in_dim3A_225 : vector<16xi1>, vector<16xi32>
      %add3A_227 = arith.addi %broadcast_in_dim3A_220, %select_n3A_226 : vector<16xi32>
      %lt3A_228 = arith.cmpf olt, %gather3A_6, %get3A_60 : vector<16xf32>
      %jit3A_229 = arith.constant 32 : i32
      %jit3A_230 = arith.constant 0 : i32
      %broadcast_in_dim3A_231 = vector.broadcast %jit3A_229 : i32 to vector<16xi32>
      %broadcast_in_dim3A_232 = vector.broadcast %jit3A_230 : i32 to vector<16xi32>
      %select_n3A_233 = arith.select %lt3A_228, %broadcast_in_dim3A_231, %broadcast_in_dim3A_232 : vector<16xi1>, vector<16xi32>
      %add3A_234 = arith.addi %add3A_227, %select_n3A_233 : vector<16xi32>
      %lt3A_235 = arith.cmpf olt, %gather3A_9, %get3A_60 : vector<16xf32>
      %jit3A_236 = arith.constant 32 : i32
      %jit3A_237 = arith.constant 0 : i32
      %broadcast_in_dim3A_238 = vector.broadcast %jit3A_236 : i32 to vector<16xi32>
      %broadcast_in_dim3A_239 = vector.broadcast %jit3A_237 : i32 to vector<16xi32>
      %select_n3A_240 = arith.select %lt3A_235, %broadcast_in_dim3A_238, %broadcast_in_dim3A_239 : vector<16xi1>, vector<16xi32>
      %add3A_241 = arith.addi %add3A_234, %select_n3A_240 : vector<16xi32>
      %lt3A_242 = arith.cmpf olt, %gather3A_12, %get3A_60 : vector<16xf32>
      %jit3A_243 = arith.constant 32 : i32
      %jit3A_244 = arith.constant 0 : i32
      %broadcast_in_dim3A_245 = vector.broadcast %jit3A_243 : i32 to vector<16xi32>
      %broadcast_in_dim3A_246 = vector.broadcast %jit3A_244 : i32 to vector<16xi32>
      %select_n3A_247 = arith.select %lt3A_242, %broadcast_in_dim3A_245, %broadcast_in_dim3A_246 : vector<16xi1>, vector<16xi32>
      %add3A_248 = arith.addi %add3A_241, %select_n3A_247 : vector<16xi32>
      %lt3A_249 = arith.cmpf olt, %gather3A_15, %get3A_60 : vector<16xf32>
      %jit3A_250 = arith.constant 32 : i32
      %jit3A_251 = arith.constant 0 : i32
      %broadcast_in_dim3A_252 = vector.broadcast %jit3A_250 : i32 to vector<16xi32>
      %broadcast_in_dim3A_253 = vector.broadcast %jit3A_251 : i32 to vector<16xi32>
      %select_n3A_254 = arith.select %lt3A_249, %broadcast_in_dim3A_252, %broadcast_in_dim3A_253 : vector<16xi1>, vector<16xi32>
      %add3A_255 = arith.addi %add3A_248, %select_n3A_254 : vector<16xi32>
      %lt3A_256 = arith.cmpf olt, %gather3A_18, %get3A_60 : vector<16xf32>
      %jit3A_257 = arith.constant 32 : i32
      %jit3A_258 = arith.constant 0 : i32
      %broadcast_in_dim3A_259 = vector.broadcast %jit3A_257 : i32 to vector<16xi32>
      %broadcast_in_dim3A_260 = vector.broadcast %jit3A_258 : i32 to vector<16xi32>
      %select_n3A_261 = arith.select %lt3A_256, %broadcast_in_dim3A_259, %broadcast_in_dim3A_260 : vector<16xi1>, vector<16xi32>
      %add3A_262 = arith.addi %add3A_255, %select_n3A_261 : vector<16xi32>
      %lt3A_263 = arith.cmpf olt, %gather3A_21, %get3A_60 : vector<16xf32>
      %jit3A_264 = arith.constant 32 : i32
      %jit3A_265 = arith.constant 0 : i32
      %broadcast_in_dim3A_266 = vector.broadcast %jit3A_264 : i32 to vector<16xi32>
      %broadcast_in_dim3A_267 = vector.broadcast %jit3A_265 : i32 to vector<16xi32>
      %select_n3A_268 = arith.select %lt3A_263, %broadcast_in_dim3A_266, %broadcast_in_dim3A_267 : vector<16xi1>, vector<16xi32>
      %add3A_269 = arith.addi %add3A_262, %select_n3A_268 : vector<16xi32>
      %lt3A_270 = arith.cmpf olt, %gather3A_24, %get3A_60 : vector<16xf32>
      %jit3A_271 = arith.constant 32 : i32
      %jit3A_272 = arith.constant 0 : i32
      %broadcast_in_dim3A_273 = vector.broadcast %jit3A_271 : i32 to vector<16xi32>
      %broadcast_in_dim3A_274 = vector.broadcast %jit3A_272 : i32 to vector<16xi32>
      %select_n3A_275 = arith.select %lt3A_270, %broadcast_in_dim3A_273, %broadcast_in_dim3A_274 : vector<16xi1>, vector<16xi32>
      %add3A_276 = arith.addi %add3A_269, %select_n3A_275 : vector<16xi32>
      %lt3A_277 = arith.cmpf olt, %gather3A_27, %get3A_60 : vector<16xf32>
      %jit3A_278 = arith.constant 32 : i32
      %jit3A_279 = arith.constant 0 : i32
      %broadcast_in_dim3A_280 = vector.broadcast %jit3A_278 : i32 to vector<16xi32>
      %broadcast_in_dim3A_281 = vector.broadcast %jit3A_279 : i32 to vector<16xi32>
      %select_n3A_282 = arith.select %lt3A_277, %broadcast_in_dim3A_280, %broadcast_in_dim3A_281 : vector<16xi1>, vector<16xi32>
      %add3A_283 = arith.addi %add3A_276, %select_n3A_282 : vector<16xi32>
      %lt3A_284 = arith.cmpf olt, %gather3A_30, %get3A_60 : vector<16xf32>
      %jit3A_285 = arith.constant 32 : i32
      %jit3A_286 = arith.constant 0 : i32
      %broadcast_in_dim3A_287 = vector.broadcast %jit3A_285 : i32 to vector<16xi32>
      %broadcast_in_dim3A_288 = vector.broadcast %jit3A_286 : i32 to vector<16xi32>
      %select_n3A_289 = arith.select %lt3A_284, %broadcast_in_dim3A_287, %broadcast_in_dim3A_288 : vector<16xi1>, vector<16xi32>
      %add3A_290 = arith.addi %add3A_283, %select_n3A_289 : vector<16xi32>
      %lt3A_291 = arith.cmpf olt, %gather3A_33, %get3A_60 : vector<16xf32>
      %jit3A_292 = arith.constant 32 : i32
      %jit3A_293 = arith.constant 0 : i32
      %broadcast_in_dim3A_294 = vector.broadcast %jit3A_292 : i32 to vector<16xi32>
      %broadcast_in_dim3A_295 = vector.broadcast %jit3A_293 : i32 to vector<16xi32>
      %select_n3A_296 = arith.select %lt3A_291, %broadcast_in_dim3A_294, %broadcast_in_dim3A_295 : vector<16xi1>, vector<16xi32>
      %add3A_297 = arith.addi %add3A_290, %select_n3A_296 : vector<16xi32>
      %lt3A_298 = arith.cmpf olt, %gather3A_36, %get3A_60 : vector<16xf32>
      %jit3A_299 = arith.constant 32 : i32
      %jit3A_300 = arith.constant 0 : i32
      %broadcast_in_dim3A_301 = vector.broadcast %jit3A_299 : i32 to vector<16xi32>
      %broadcast_in_dim3A_302 = vector.broadcast %jit3A_300 : i32 to vector<16xi32>
      %select_n3A_303 = arith.select %lt3A_298, %broadcast_in_dim3A_301, %broadcast_in_dim3A_302 : vector<16xi1>, vector<16xi32>
      %add3A_304 = arith.addi %add3A_297, %select_n3A_303 : vector<16xi32>
      %lt3A_305 = arith.cmpf olt, %gather3A_39, %get3A_60 : vector<16xf32>
      %jit3A_306 = arith.constant 32 : i32
      %jit3A_307 = arith.constant 0 : i32
      %broadcast_in_dim3A_308 = vector.broadcast %jit3A_306 : i32 to vector<16xi32>
      %broadcast_in_dim3A_309 = vector.broadcast %jit3A_307 : i32 to vector<16xi32>
      %select_n3A_310 = arith.select %lt3A_305, %broadcast_in_dim3A_308, %broadcast_in_dim3A_309 : vector<16xi1>, vector<16xi32>
      %add3A_311 = arith.addi %add3A_304, %select_n3A_310 : vector<16xi32>
      %lt3A_312 = arith.cmpf olt, %gather3A_42, %get3A_60 : vector<16xf32>
      %jit3A_313 = arith.constant 32 : i32
      %jit3A_314 = arith.constant 0 : i32
      %broadcast_in_dim3A_315 = vector.broadcast %jit3A_313 : i32 to vector<16xi32>
      %broadcast_in_dim3A_316 = vector.broadcast %jit3A_314 : i32 to vector<16xi32>
      %select_n3A_317 = arith.select %lt3A_312, %broadcast_in_dim3A_315, %broadcast_in_dim3A_316 : vector<16xi1>, vector<16xi32>
      %add3A_318 = arith.addi %add3A_311, %select_n3A_317 : vector<16xi32>
      %lt3A_319 = arith.cmpf olt, %gather3A_45, %get3A_60 : vector<16xf32>
      %jit3A_320 = arith.constant 32 : i32
      %jit3A_321 = arith.constant 0 : i32
      %broadcast_in_dim3A_322 = vector.broadcast %jit3A_320 : i32 to vector<16xi32>
      %broadcast_in_dim3A_323 = vector.broadcast %jit3A_321 : i32 to vector<16xi32>
      %select_n3A_324 = arith.select %lt3A_319, %broadcast_in_dim3A_322, %broadcast_in_dim3A_323 : vector<16xi1>, vector<16xi32>
      %add3A_325 = arith.addi %add3A_318, %select_n3A_324 : vector<16xi32>
      %add3A_326 = arith.constant 15 : i32
      %add3A_327 = vector.broadcast %add3A_326 : i32 to vector<16xi32>
      %add3A_328 = arith.addi %add3A_325, %add3A_327 : vector<16xi32>
      %gather3A_329 = tpu.vector_load_idx %arg8[%add3A_328] : memref<512xf32, #tpu.memory_space<vmem>>[vector<16xi32>], vector<16xf32>,
      %lt3A_330 = arith.cmpf olt, %gather3A_329, %get3A_60 : vector<16xf32>
      %add3A_331 = arith.constant 16 : i32
      %add3A_332 = vector.broadcast %add3A_331 : i32 to vector<16xi32>
      %add3A_333 = arith.addi %add3A_325, %add3A_332 : vector<16xi32>
      %select_n3A_334 = arith.select %lt3A_330, %add3A_333, %add3A_325 : vector<16xi1>, vector<16xi32>
      %add3A_335 = arith.constant 7 : i32
      %add3A_336 = vector.broadcast %add3A_335 : i32 to vector<16xi32>
      %add3A_337 = arith.addi %select_n3A_334, %add3A_336 : vector<16xi32>
      %gather3A_338 = tpu.vector_load_idx %arg8[%add3A_337] : memref<512xf32, #tpu.memory_space<vmem>>[vector<16xi32>], vector<16xf32>,
      %lt3A_339 = arith.cmpf olt, %gather3A_338, %get3A_60 : vector<16xf32>
      %add3A_340 = arith.constant 8 : i32
      %add3A_341 = vector.broadcast %add3A_340 : i32 to vector<16xi32>
      %add3A_342 = arith.addi %select_n3A_334, %add3A_341 : vector<16xi32>
      %select_n3A_343 = arith.select %lt3A_339, %add3A_342, %select_n3A_334 : vector<16xi1>, vector<16xi32>
      %add3A_344 = arith.constant 3 : i32
      %add3A_345 = vector.broadcast %add3A_344 : i32 to vector<16xi32>
      %add3A_346 = arith.addi %select_n3A_343, %add3A_345 : vector<16xi32>
      %gather3A_347 = tpu.vector_load_idx %arg8[%add3A_346] : memref<512xf32, #tpu.memory_space<vmem>>[vector<16xi32>], vector<16xf32>,
      %lt3A_348 = arith.cmpf olt, %gather3A_347, %get3A_60 : vector<16xf32>
      %add3A_349 = arith.constant 4 : i32
      %add3A_350 = vector.broadcast %add3A_349 : i32 to vector<16xi32>
      %add3A_351 = arith.addi %select_n3A_343, %add3A_350 : vector<16xi32>
      %select_n3A_352 = arith.select %lt3A_348, %add3A_351, %select_n3A_343 : vector<16xi1>, vector<16xi32>
      %add3A_353 = arith.constant 1 : i32
      %add3A_354 = vector.broadcast %add3A_353 : i32 to vector<16xi32>
      %add3A_355 = arith.addi %select_n3A_352, %add3A_354 : vector<16xi32>
      %gather3A_356 = tpu.vector_load_idx %arg8[%add3A_355] : memref<512xf32, #tpu.memory_space<vmem>>[vector<16xi32>], vector<16xf32>,
      %lt3A_357 = arith.cmpf olt, %gather3A_356, %get3A_60 : vector<16xf32>
      %add3A_358 = arith.constant 2 : i32
      %add3A_359 = vector.broadcast %add3A_358 : i32 to vector<16xi32>
      %add3A_360 = arith.addi %select_n3A_352, %add3A_359 : vector<16xi32>
      %select_n3A_361 = arith.select %lt3A_357, %add3A_360, %select_n3A_352 : vector<16xi1>, vector<16xi32>
      %add3A_362 = arith.constant 0 : i32
      %add3A_363 = vector.broadcast %add3A_362 : i32 to vector<16xi32>
      %add3A_364 = arith.addi %select_n3A_361, %add3A_363 : vector<16xi32>
      %gather3A_365 = tpu.vector_load_idx %arg8[%add3A_364] : memref<512xf32, #tpu.memory_space<vmem>>[vector<16xi32>], vector<16xf32>,
      %lt3A_366 = arith.cmpf olt, %gather3A_365, %get3A_60 : vector<16xf32>
      %add3A_367 = arith.constant 1 : i32
      %add3A_368 = vector.broadcast %add3A_367 : i32 to vector<16xi32>
      %add3A_369 = arith.addi %select_n3A_361, %add3A_368 : vector<16xi32>
      %select_n3A_370 = arith.select %lt3A_366, %add3A_369, %select_n3A_361 : vector<16xi1>, vector<16xi32>
      %gather3A_371 = tpu.vector_load_idx %arg7[%select_n3A_370] : memref<512xf32, #tpu.memory_space<vmem>>[vector<16xi32>], vector<16xf32>,
      %broadcast_in_dim3A_372 = arith.constant 0 : i32
      %broadcast_in_dim3A_373 = vector.broadcast %broadcast_in_dim3A_372 : i32 to vector<16xi32>
      %lt3A_374 = arith.cmpf olt, %gather3A, %get3A_64 : vector<16xf32>
      %jit3A_375 = arith.constant 32 : i32
      %jit3A_376 = arith.constant 0 : i32
      %broadcast_in_dim3A_377 = vector.broadcast %jit3A_375 : i32 to vector<16xi32>
      %broadcast_in_dim3A_378 = vector.broadcast %jit3A_376 : i32 to vector<16xi32>
      %select_n3A_379 = arith.select %lt3A_374, %broadcast_in_dim3A_377, %broadcast_in_dim3A_378 : vector<16xi1>, vector<16xi32>
      %add3A_380 = arith.addi %broadcast_in_dim3A_373, %select_n3A_379 : vector<16xi32>
      %lt3A_381 = arith.cmpf olt, %gather3A_6, %get3A_64 : vector<16xf32>
      %jit3A_382 = arith.constant 32 : i32
      %jit3A_383 = arith.constant 0 : i32
      %broadcast_in_dim3A_384 = vector.broadcast %jit3A_382 : i32 to vector<16xi32>
      %broadcast_in_dim3A_385 = vector.broadcast %jit3A_383 : i32 to vector<16xi32>
      %select_n3A_386 = arith.select %lt3A_381, %broadcast_in_dim3A_384, %broadcast_in_dim3A_385 : vector<16xi1>, vector<16xi32>
      %add3A_387 = arith.addi %add3A_380, %select_n3A_386 : vector<16xi32>
      %lt3A_388 = arith.cmpf olt, %gather3A_9, %get3A_64 : vector<16xf32>
      %jit3A_389 = arith.constant 32 : i32
      %jit3A_390 = arith.constant 0 : i32
      %broadcast_in_dim3A_391 = vector.broadcast %jit3A_389 : i32 to vector<16xi32>
      %broadcast_in_dim3A_392 = vector.broadcast %jit3A_390 : i32 to vector<16xi32>
      %select_n3A_393 = arith.select %lt3A_388, %broadcast_in_dim3A_391, %broadcast_in_dim3A_392 : vector<16xi1>, vector<16xi32>
      %add3A_394 = arith.addi %add3A_387, %select_n3A_393 : vector<16xi32>
      %lt3A_395 = arith.cmpf olt, %gather3A_12, %get3A_64 : vector<16xf32>
      %jit3A_396 = arith.constant 32 : i32
      %jit3A_397 = arith.constant 0 : i32
      %broadcast_in_dim3A_398 = vector.broadcast %jit3A_396 : i32 to vector<16xi32>
      %broadcast_in_dim3A_399 = vector.broadcast %jit3A_397 : i32 to vector<16xi32>
      %select_n3A_400 = arith.select %lt3A_395, %broadcast_in_dim3A_398, %broadcast_in_dim3A_399 : vector<16xi1>, vector<16xi32>
      %add3A_401 = arith.addi %add3A_394, %select_n3A_400 : vector<16xi32>
      %lt3A_402 = arith.cmpf olt, %gather3A_15, %get3A_64 : vector<16xf32>
      %jit3A_403 = arith.constant 32 : i32
      %jit3A_404 = arith.constant 0 : i32
      %broadcast_in_dim3A_405 = vector.broadcast %jit3A_403 : i32 to vector<16xi32>
      %broadcast_in_dim3A_406 = vector.broadcast %jit3A_404 : i32 to vector<16xi32>
      %select_n3A_407 = arith.select %lt3A_402, %broadcast_in_dim3A_405, %broadcast_in_dim3A_406 : vector<16xi1>, vector<16xi32>
      %add3A_408 = arith.addi %add3A_401, %select_n3A_407 : vector<16xi32>
      %lt3A_409 = arith.cmpf olt, %gather3A_18, %get3A_64 : vector<16xf32>
      %jit3A_410 = arith.constant 32 : i32
      %jit3A_411 = arith.constant 0 : i32
      %broadcast_in_dim3A_412 = vector.broadcast %jit3A_410 : i32 to vector<16xi32>
      %broadcast_in_dim3A_413 = vector.broadcast %jit3A_411 : i32 to vector<16xi32>
      %select_n3A_414 = arith.select %lt3A_409, %broadcast_in_dim3A_412, %broadcast_in_dim3A_413 : vector<16xi1>, vector<16xi32>
      %add3A_415 = arith.addi %add3A_408, %select_n3A_414 : vector<16xi32>
      %lt3A_416 = arith.cmpf olt, %gather3A_21, %get3A_64 : vector<16xf32>
      %jit3A_417 = arith.constant 32 : i32
      %jit3A_418 = arith.constant 0 : i32
      %broadcast_in_dim3A_419 = vector.broadcast %jit3A_417 : i32 to vector<16xi32>
      %broadcast_in_dim3A_420 = vector.broadcast %jit3A_418 : i32 to vector<16xi32>
      %select_n3A_421 = arith.select %lt3A_416, %broadcast_in_dim3A_419, %broadcast_in_dim3A_420 : vector<16xi1>, vector<16xi32>
      %add3A_422 = arith.addi %add3A_415, %select_n3A_421 : vector<16xi32>
      %lt3A_423 = arith.cmpf olt, %gather3A_24, %get3A_64 : vector<16xf32>
      %jit3A_424 = arith.constant 32 : i32
      %jit3A_425 = arith.constant 0 : i32
      %broadcast_in_dim3A_426 = vector.broadcast %jit3A_424 : i32 to vector<16xi32>
      %broadcast_in_dim3A_427 = vector.broadcast %jit3A_425 : i32 to vector<16xi32>
      %select_n3A_428 = arith.select %lt3A_423, %broadcast_in_dim3A_426, %broadcast_in_dim3A_427 : vector<16xi1>, vector<16xi32>
      %add3A_429 = arith.addi %add3A_422, %select_n3A_428 : vector<16xi32>
      %lt3A_430 = arith.cmpf olt, %gather3A_27, %get3A_64 : vector<16xf32>
      %jit3A_431 = arith.constant 32 : i32
      %jit3A_432 = arith.constant 0 : i32
      %broadcast_in_dim3A_433 = vector.broadcast %jit3A_431 : i32 to vector<16xi32>
      %broadcast_in_dim3A_434 = vector.broadcast %jit3A_432 : i32 to vector<16xi32>
      %select_n3A_435 = arith.select %lt3A_430, %broadcast_in_dim3A_433, %broadcast_in_dim3A_434 : vector<16xi1>, vector<16xi32>
      %add3A_436 = arith.addi %add3A_429, %select_n3A_435 : vector<16xi32>
      %lt3A_437 = arith.cmpf olt, %gather3A_30, %get3A_64 : vector<16xf32>
      %jit3A_438 = arith.constant 32 : i32
      %jit3A_439 = arith.constant 0 : i32
      %broadcast_in_dim3A_440 = vector.broadcast %jit3A_438 : i32 to vector<16xi32>
      %broadcast_in_dim3A_441 = vector.broadcast %jit3A_439 : i32 to vector<16xi32>
      %select_n3A_442 = arith.select %lt3A_437, %broadcast_in_dim3A_440, %broadcast_in_dim3A_441 : vector<16xi1>, vector<16xi32>
      %add3A_443 = arith.addi %add3A_436, %select_n3A_442 : vector<16xi32>
      %lt3A_444 = arith.cmpf olt, %gather3A_33, %get3A_64 : vector<16xf32>
      %jit3A_445 = arith.constant 32 : i32
      %jit3A_446 = arith.constant 0 : i32
      %broadcast_in_dim3A_447 = vector.broadcast %jit3A_445 : i32 to vector<16xi32>
      %broadcast_in_dim3A_448 = vector.broadcast %jit3A_446 : i32 to vector<16xi32>
      %select_n3A_449 = arith.select %lt3A_444, %broadcast_in_dim3A_447, %broadcast_in_dim3A_448 : vector<16xi1>, vector<16xi32>
      %add3A_450 = arith.addi %add3A_443, %select_n3A_449 : vector<16xi32>
      %lt3A_451 = arith.cmpf olt, %gather3A_36, %get3A_64 : vector<16xf32>
      %jit3A_452 = arith.constant 32 : i32
      %jit3A_453 = arith.constant 0 : i32
      %broadcast_in_dim3A_454 = vector.broadcast %jit3A_452 : i32 to vector<16xi32>
      %broadcast_in_dim3A_455 = vector.broadcast %jit3A_453 : i32 to vector<16xi32>
      %select_n3A_456 = arith.select %lt3A_451, %broadcast_in_dim3A_454, %broadcast_in_dim3A_455 : vector<16xi1>, vector<16xi32>
      %add3A_457 = arith.addi %add3A_450, %select_n3A_456 : vector<16xi32>
      %lt3A_458 = arith.cmpf olt, %gather3A_39, %get3A_64 : vector<16xf32>
      %jit3A_459 = arith.constant 32 : i32
      %jit3A_460 = arith.constant 0 : i32
      %broadcast_in_dim3A_461 = vector.broadcast %jit3A_459 : i32 to vector<16xi32>
      %broadcast_in_dim3A_462 = vector.broadcast %jit3A_460 : i32 to vector<16xi32>
      %select_n3A_463 = arith.select %lt3A_458, %broadcast_in_dim3A_461, %broadcast_in_dim3A_462 : vector<16xi1>, vector<16xi32>
      %add3A_464 = arith.addi %add3A_457, %select_n3A_463 : vector<16xi32>
      %lt3A_465 = arith.cmpf olt, %gather3A_42, %get3A_64 : vector<16xf32>
      %jit3A_466 = arith.constant 32 : i32
      %jit3A_467 = arith.constant 0 : i32
      %broadcast_in_dim3A_468 = vector.broadcast %jit3A_466 : i32 to vector<16xi32>
      %broadcast_in_dim3A_469 = vector.broadcast %jit3A_467 : i32 to vector<16xi32>
      %select_n3A_470 = arith.select %lt3A_465, %broadcast_in_dim3A_468, %broadcast_in_dim3A_469 : vector<16xi1>, vector<16xi32>
      %add3A_471 = arith.addi %add3A_464, %select_n3A_470 : vector<16xi32>
      %lt3A_472 = arith.cmpf olt, %gather3A_45, %get3A_64 : vector<16xf32>
      %jit3A_473 = arith.constant 32 : i32
      %jit3A_474 = arith.constant 0 : i32
      %broadcast_in_dim3A_475 = vector.broadcast %jit3A_473 : i32 to vector<16xi32>
      %broadcast_in_dim3A_476 = vector.broadcast %jit3A_474 : i32 to vector<16xi32>
      %select_n3A_477 = arith.select %lt3A_472, %broadcast_in_dim3A_475, %broadcast_in_dim3A_476 : vector<16xi1>, vector<16xi32>
      %add3A_478 = arith.addi %add3A_471, %select_n3A_477 : vector<16xi32>
      %add3A_479 = arith.constant 15 : i32
      %add3A_480 = vector.broadcast %add3A_479 : i32 to vector<16xi32>
      %add3A_481 = arith.addi %add3A_478, %add3A_480 : vector<16xi32>
      %gather3A_482 = tpu.vector_load_idx %arg8[%add3A_481] : memref<512xf32, #tpu.memory_space<vmem>>[vector<16xi32>], vector<16xf32>,
      %lt3A_483 = arith.cmpf olt, %gather3A_482, %get3A_64 : vector<16xf32>
      %add3A_484 = arith.constant 16 : i32
      %add3A_485 = vector.broadcast %add3A_484 : i32 to vector<16xi32>
      %add3A_486 = arith.addi %add3A_478, %add3A_485 : vector<16xi32>
      %select_n3A_487 = arith.select %lt3A_483, %add3A_486, %add3A_478 : vector<16xi1>, vector<16xi32>
      %add3A_488 = arith.constant 7 : i32
      %add3A_489 = vector.broadcast %add3A_488 : i32 to vector<16xi32>
      %add3A_490 = arith.addi %select_n3A_487, %add3A_489 : vector<16xi32>
      %gather3A_491 = tpu.vector_load_idx %arg8[%add3A_490] : memref<512xf32, #tpu.memory_space<vmem>>[vector<16xi32>], vector<16xf32>,
      %lt3A_492 = arith.cmpf olt, %gather3A_491, %get3A_64 : vector<16xf32>
      %add3A_493 = arith.constant 8 : i32
      %add3A_494 = vector.broadcast %add3A_493 : i32 to vector<16xi32>
      %add3A_495 = arith.addi %select_n3A_487, %add3A_494 : vector<16xi32>
      %select_n3A_496 = arith.select %lt3A_492, %add3A_495, %select_n3A_487 : vector<16xi1>, vector<16xi32>
      %add3A_497 = arith.constant 3 : i32
      %add3A_498 = vector.broadcast %add3A_497 : i32 to vector<16xi32>
      %add3A_499 = arith.addi %select_n3A_496, %add3A_498 : vector<16xi32>
      %gather3A_500 = tpu.vector_load_idx %arg8[%add3A_499] : memref<512xf32, #tpu.memory_space<vmem>>[vector<16xi32>], vector<16xf32>,
      %lt3A_501 = arith.cmpf olt, %gather3A_500, %get3A_64 : vector<16xf32>
      %add3A_502 = arith.constant 4 : i32
      %add3A_503 = vector.broadcast %add3A_502 : i32 to vector<16xi32>
      %add3A_504 = arith.addi %select_n3A_496, %add3A_503 : vector<16xi32>
      %select_n3A_505 = arith.select %lt3A_501, %add3A_504, %select_n3A_496 : vector<16xi1>, vector<16xi32>
      %add3A_506 = arith.constant 1 : i32
      %add3A_507 = vector.broadcast %add3A_506 : i32 to vector<16xi32>
      %add3A_508 = arith.addi %select_n3A_505, %add3A_507 : vector<16xi32>
      %gather3A_509 = tpu.vector_load_idx %arg8[%add3A_508] : memref<512xf32, #tpu.memory_space<vmem>>[vector<16xi32>], vector<16xf32>,
      %lt3A_510 = arith.cmpf olt, %gather3A_509, %get3A_64 : vector<16xf32>
      %add3A_511 = arith.constant 2 : i32
      %add3A_512 = vector.broadcast %add3A_511 : i32 to vector<16xi32>
      %add3A_513 = arith.addi %select_n3A_505, %add3A_512 : vector<16xi32>
      %select_n3A_514 = arith.select %lt3A_510, %add3A_513, %select_n3A_505 : vector<16xi1>, vector<16xi32>
      %add3A_515 = arith.constant 0 : i32
      %add3A_516 = vector.broadcast %add3A_515 : i32 to vector<16xi32>
      %add3A_517 = arith.addi %select_n3A_514, %add3A_516 : vector<16xi32>
      %gather3A_518 = tpu.vector_load_idx %arg8[%add3A_517] : memref<512xf32, #tpu.memory_space<vmem>>[vector<16xi32>], vector<16xf32>,
      %lt3A_519 = arith.cmpf olt, %gather3A_518, %get3A_64 : vector<16xf32>
      %add3A_520 = arith.constant 1 : i32
      %add3A_521 = vector.broadcast %add3A_520 : i32 to vector<16xi32>
      %add3A_522 = arith.addi %select_n3A_514, %add3A_521 : vector<16xi32>
      %select_n3A_523 = arith.select %lt3A_519, %add3A_522, %select_n3A_514 : vector<16xi1>, vector<16xi32>
      %gather3A_524 = tpu.vector_load_idx %arg7[%select_n3A_523] : memref<512xf32, #tpu.memory_space<vmem>>[vector<16xi32>], vector<16xf32>,
      %broadcast_in_dim3A_525 = arith.constant 0 : i32
      %broadcast_in_dim3A_526 = vector.broadcast %broadcast_in_dim3A_525 : i32 to vector<16xi32>
      %lt3A_527 = arith.cmpf olt, %gather3A, %get3A_68 : vector<16xf32>
      %jit3A_528 = arith.constant 32 : i32
      %jit3A_529 = arith.constant 0 : i32
      %broadcast_in_dim3A_530 = vector.broadcast %jit3A_528 : i32 to vector<16xi32>
      %broadcast_in_dim3A_531 = vector.broadcast %jit3A_529 : i32 to vector<16xi32>
      %select_n3A_532 = arith.select %lt3A_527, %broadcast_in_dim3A_530, %broadcast_in_dim3A_531 : vector<16xi1>, vector<16xi32>
      %add3A_533 = arith.addi %broadcast_in_dim3A_526, %select_n3A_532 : vector<16xi32>
      %lt3A_534 = arith.cmpf olt, %gather3A_6, %get3A_68 : vector<16xf32>
      %jit3A_535 = arith.constant 32 : i32
      %jit3A_536 = arith.constant 0 : i32
      %broadcast_in_dim3A_537 = vector.broadcast %jit3A_535 : i32 to vector<16xi32>
      %broadcast_in_dim3A_538 = vector.broadcast %jit3A_536 : i32 to vector<16xi32>
      %select_n3A_539 = arith.select %lt3A_534, %broadcast_in_dim3A_537, %broadcast_in_dim3A_538 : vector<16xi1>, vector<16xi32>
      %add3A_540 = arith.addi %add3A_533, %select_n3A_539 : vector<16xi32>
      %lt3A_541 = arith.cmpf olt, %gather3A_9, %get3A_68 : vector<16xf32>
      %jit3A_542 = arith.constant 32 : i32
      %jit3A_543 = arith.constant 0 : i32
      %broadcast_in_dim3A_544 = vector.broadcast %jit3A_542 : i32 to vector<16xi32>
      %broadcast_in_dim3A_545 = vector.broadcast %jit3A_543 : i32 to vector<16xi32>
      %select_n3A_546 = arith.select %lt3A_541, %broadcast_in_dim3A_544, %broadcast_in_dim3A_545 : vector<16xi1>, vector<16xi32>
      %add3A_547 = arith.addi %add3A_540, %select_n3A_546 : vector<16xi32>
      %lt3A_548 = arith.cmpf olt, %gather3A_12, %get3A_68 : vector<16xf32>
      %jit3A_549 = arith.constant 32 : i32
      %jit3A_550 = arith.constant 0 : i32
      %broadcast_in_dim3A_551 = vector.broadcast %jit3A_549 : i32 to vector<16xi32>
      %broadcast_in_dim3A_552 = vector.broadcast %jit3A_550 : i32 to vector<16xi32>
      %select_n3A_553 = arith.select %lt3A_548, %broadcast_in_dim3A_551, %broadcast_in_dim3A_552 : vector<16xi1>, vector<16xi32>
      %add3A_554 = arith.addi %add3A_547, %select_n3A_553 : vector<16xi32>
      %lt3A_555 = arith.cmpf olt, %gather3A_15, %get3A_68 : vector<16xf32>
      %jit3A_556 = arith.constant 32 : i32
      %jit3A_557 = arith.constant 0 : i32
      %broadcast_in_dim3A_558 = vector.broadcast %jit3A_556 : i32 to vector<16xi32>
      %broadcast_in_dim3A_559 = vector.broadcast %jit3A_557 : i32 to vector<16xi32>
      %select_n3A_560 = arith.select %lt3A_555, %broadcast_in_dim3A_558, %broadcast_in_dim3A_559 : vector<16xi1>, vector<16xi32>
      %add3A_561 = arith.addi %add3A_554, %select_n3A_560 : vector<16xi32>
      %lt3A_562 = arith.cmpf olt, %gather3A_18, %get3A_68 : vector<16xf32>
      %jit3A_563 = arith.constant 32 : i32
      %jit3A_564 = arith.constant 0 : i32
      %broadcast_in_dim3A_565 = vector.broadcast %jit3A_563 : i32 to vector<16xi32>
      %broadcast_in_dim3A_566 = vector.broadcast %jit3A_564 : i32 to vector<16xi32>
      %select_n3A_567 = arith.select %lt3A_562, %broadcast_in_dim3A_565, %broadcast_in_dim3A_566 : vector<16xi1>, vector<16xi32>
      %add3A_568 = arith.addi %add3A_561, %select_n3A_567 : vector<16xi32>
      %lt3A_569 = arith.cmpf olt, %gather3A_21, %get3A_68 : vector<16xf32>
      %jit3A_570 = arith.constant 32 : i32
      %jit3A_571 = arith.constant 0 : i32
      %broadcast_in_dim3A_572 = vector.broadcast %jit3A_570 : i32 to vector<16xi32>
      %broadcast_in_dim3A_573 = vector.broadcast %jit3A_571 : i32 to vector<16xi32>
      %select_n3A_574 = arith.select %lt3A_569, %broadcast_in_dim3A_572, %broadcast_in_dim3A_573 : vector<16xi1>, vector<16xi32>
      %add3A_575 = arith.addi %add3A_568, %select_n3A_574 : vector<16xi32>
      %lt3A_576 = arith.cmpf olt, %gather3A_24, %get3A_68 : vector<16xf32>
      %jit3A_577 = arith.constant 32 : i32
      %jit3A_578 = arith.constant 0 : i32
      %broadcast_in_dim3A_579 = vector.broadcast %jit3A_577 : i32 to vector<16xi32>
      %broadcast_in_dim3A_580 = vector.broadcast %jit3A_578 : i32 to vector<16xi32>
      %select_n3A_581 = arith.select %lt3A_576, %broadcast_in_dim3A_579, %broadcast_in_dim3A_580 : vector<16xi1>, vector<16xi32>
      %add3A_582 = arith.addi %add3A_575, %select_n3A_581 : vector<16xi32>
      %lt3A_583 = arith.cmpf olt, %gather3A_27, %get3A_68 : vector<16xf32>
      %jit3A_584 = arith.constant 32 : i32
      %jit3A_585 = arith.constant 0 : i32
      %broadcast_in_dim3A_586 = vector.broadcast %jit3A_584 : i32 to vector<16xi32>
      %broadcast_in_dim3A_587 = vector.broadcast %jit3A_585 : i32 to vector<16xi32>
      %select_n3A_588 = arith.select %lt3A_583, %broadcast_in_dim3A_586, %broadcast_in_dim3A_587 : vector<16xi1>, vector<16xi32>
      %add3A_589 = arith.addi %add3A_582, %select_n3A_588 : vector<16xi32>
      %lt3A_590 = arith.cmpf olt, %gather3A_30, %get3A_68 : vector<16xf32>
      %jit3A_591 = arith.constant 32 : i32
      %jit3A_592 = arith.constant 0 : i32
      %broadcast_in_dim3A_593 = vector.broadcast %jit3A_591 : i32 to vector<16xi32>
      %broadcast_in_dim3A_594 = vector.broadcast %jit3A_592 : i32 to vector<16xi32>
      %select_n3A_595 = arith.select %lt3A_590, %broadcast_in_dim3A_593, %broadcast_in_dim3A_594 : vector<16xi1>, vector<16xi32>
      %add3A_596 = arith.addi %add3A_589, %select_n3A_595 : vector<16xi32>
      %lt3A_597 = arith.cmpf olt, %gather3A_33, %get3A_68 : vector<16xf32>
      %jit3A_598 = arith.constant 32 : i32
      %jit3A_599 = arith.constant 0 : i32
      %broadcast_in_dim3A_600 = vector.broadcast %jit3A_598 : i32 to vector<16xi32>
      %broadcast_in_dim3A_601 = vector.broadcast %jit3A_599 : i32 to vector<16xi32>
      %select_n3A_602 = arith.select %lt3A_597, %broadcast_in_dim3A_600, %broadcast_in_dim3A_601 : vector<16xi1>, vector<16xi32>
      %add3A_603 = arith.addi %add3A_596, %select_n3A_602 : vector<16xi32>
      %lt3A_604 = arith.cmpf olt, %gather3A_36, %get3A_68 : vector<16xf32>
      %jit3A_605 = arith.constant 32 : i32
      %jit3A_606 = arith.constant 0 : i32
      %broadcast_in_dim3A_607 = vector.broadcast %jit3A_605 : i32 to vector<16xi32>
      %broadcast_in_dim3A_608 = vector.broadcast %jit3A_606 : i32 to vector<16xi32>
      %select_n3A_609 = arith.select %lt3A_604, %broadcast_in_dim3A_607, %broadcast_in_dim3A_608 : vector<16xi1>, vector<16xi32>
      %add3A_610 = arith.addi %add3A_603, %select_n3A_609 : vector<16xi32>
      %lt3A_611 = arith.cmpf olt, %gather3A_39, %get3A_68 : vector<16xf32>
      %jit3A_612 = arith.constant 32 : i32
      %jit3A_613 = arith.constant 0 : i32
      %broadcast_in_dim3A_614 = vector.broadcast %jit3A_612 : i32 to vector<16xi32>
      %broadcast_in_dim3A_615 = vector.broadcast %jit3A_613 : i32 to vector<16xi32>
      %select_n3A_616 = arith.select %lt3A_611, %broadcast_in_dim3A_614, %broadcast_in_dim3A_615 : vector<16xi1>, vector<16xi32>
      %add3A_617 = arith.addi %add3A_610, %select_n3A_616 : vector<16xi32>
      %lt3A_618 = arith.cmpf olt, %gather3A_42, %get3A_68 : vector<16xf32>
      %jit3A_619 = arith.constant 32 : i32
      %jit3A_620 = arith.constant 0 : i32
      %broadcast_in_dim3A_621 = vector.broadcast %jit3A_619 : i32 to vector<16xi32>
      %broadcast_in_dim3A_622 = vector.broadcast %jit3A_620 : i32 to vector<16xi32>
      %select_n3A_623 = arith.select %lt3A_618, %broadcast_in_dim3A_621, %broadcast_in_dim3A_622 : vector<16xi1>, vector<16xi32>
      %add3A_624 = arith.addi %add3A_617, %select_n3A_623 : vector<16xi32>
      %lt3A_625 = arith.cmpf olt, %gather3A_45, %get3A_68 : vector<16xf32>
      %jit3A_626 = arith.constant 32 : i32
      %jit3A_627 = arith.constant 0 : i32
      %broadcast_in_dim3A_628 = vector.broadcast %jit3A_626 : i32 to vector<16xi32>
      %broadcast_in_dim3A_629 = vector.broadcast %jit3A_627 : i32 to vector<16xi32>
      %select_n3A_630 = arith.select %lt3A_625, %broadcast_in_dim3A_628, %broadcast_in_dim3A_629 : vector<16xi1>, vector<16xi32>
      %add3A_631 = arith.addi %add3A_624, %select_n3A_630 : vector<16xi32>
      %add3A_632 = arith.constant 15 : i32
      %add3A_633 = vector.broadcast %add3A_632 : i32 to vector<16xi32>
      %add3A_634 = arith.addi %add3A_631, %add3A_633 : vector<16xi32>
      %gather3A_635 = tpu.vector_load_idx %arg8[%add3A_634] : memref<512xf32, #tpu.memory_space<vmem>>[vector<16xi32>], vector<16xf32>,
      %lt3A_636 = arith.cmpf olt, %gather3A_635, %get3A_68 : vector<16xf32>
      %add3A_637 = arith.constant 16 : i32
      %add3A_638 = vector.broadcast %add3A_637 : i32 to vector<16xi32>
      %add3A_639 = arith.addi %add3A_631, %add3A_638 : vector<16xi32>
      %select_n3A_640 = arith.select %lt3A_636, %add3A_639, %add3A_631 : vector<16xi1>, vector<16xi32>
      %add3A_641 = arith.constant 7 : i32
      %add3A_642 = vector.broadcast %add3A_641 : i32 to vector<16xi32>
      %add3A_643 = arith.addi %select_n3A_640, %add3A_642 : vector<16xi32>
      %gather3A_644 = tpu.vector_load_idx %arg8[%add3A_643] : memref<512xf32, #tpu.memory_space<vmem>>[vector<16xi32>], vector<16xf32>,
      %lt3A_645 = arith.cmpf olt, %gather3A_644, %get3A_68 : vector<16xf32>
      %add3A_646 = arith.constant 8 : i32
      %add3A_647 = vector.broadcast %add3A_646 : i32 to vector<16xi32>
      %add3A_648 = arith.addi %select_n3A_640, %add3A_647 : vector<16xi32>
      %select_n3A_649 = arith.select %lt3A_645, %add3A_648, %select_n3A_640 : vector<16xi1>, vector<16xi32>
      %add3A_650 = arith.constant 3 : i32
      %add3A_651 = vector.broadcast %add3A_650 : i32 to vector<16xi32>
      %add3A_652 = arith.addi %select_n3A_649, %add3A_651 : vector<16xi32>
      %gather3A_653 = tpu.vector_load_idx %arg8[%add3A_652] : memref<512xf32, #tpu.memory_space<vmem>>[vector<16xi32>], vector<16xf32>,
      %lt3A_654 = arith.cmpf olt, %gather3A_653, %get3A_68 : vector<16xf32>
      %add3A_655 = arith.constant 4 : i32
      %add3A_656 = vector.broadcast %add3A_655 : i32 to vector<16xi32>
      %add3A_657 = arith.addi %select_n3A_649, %add3A_656 : vector<16xi32>
      %select_n3A_658 = arith.select %lt3A_654, %add3A_657, %select_n3A_649 : vector<16xi1>, vector<16xi32>
      %add3A_659 = arith.constant 1 : i32
      %add3A_660 = vector.broadcast %add3A_659 : i32 to vector<16xi32>
      %add3A_661 = arith.addi %select_n3A_658, %add3A_660 : vector<16xi32>
      %gather3A_662 = tpu.vector_load_idx %arg8[%add3A_661] : memref<512xf32, #tpu.memory_space<vmem>>[vector<16xi32>], vector<16xf32>,
      %lt3A_663 = arith.cmpf olt, %gather3A_662, %get3A_68 : vector<16xf32>
      %add3A_664 = arith.constant 2 : i32
      %add3A_665 = vector.broadcast %add3A_664 : i32 to vector<16xi32>
      %add3A_666 = arith.addi %select_n3A_658, %add3A_665 : vector<16xi32>
      %select_n3A_667 = arith.select %lt3A_663, %add3A_666, %select_n3A_658 : vector<16xi1>, vector<16xi32>
      %add3A_668 = arith.constant 0 : i32
      %add3A_669 = vector.broadcast %add3A_668 : i32 to vector<16xi32>
      %add3A_670 = arith.addi %select_n3A_667, %add3A_669 : vector<16xi32>
      %gather3A_671 = tpu.vector_load_idx %arg8[%add3A_670] : memref<512xf32, #tpu.memory_space<vmem>>[vector<16xi32>], vector<16xf32>,
      %lt3A_672 = arith.cmpf olt, %gather3A_671, %get3A_68 : vector<16xf32>
      %add3A_673 = arith.constant 1 : i32
      %add3A_674 = vector.broadcast %add3A_673 : i32 to vector<16xi32>
      %add3A_675 = arith.addi %select_n3A_667, %add3A_674 : vector<16xi32>
      %select_n3A_676 = arith.select %lt3A_672, %add3A_675, %select_n3A_667 : vector<16xi1>, vector<16xi32>
      %gather3A_677 = tpu.vector_load_idx %arg7[%select_n3A_676] : memref<512xf32, #tpu.memory_space<vmem>>[vector<16xi32>], vector<16xf32>,
      %add3A_678 = arith.constant 0 : i32
      %add3A_679 = arith.addi %mul3A_53, %add3A_678 : i32
      %swap3A = arith.index_cast %add3A_679 : i32 to index
      %swap3A_680 = tpu.vector_load %arg9[%swap3A] {strides = array<i32>} : memref<4096xf32, #tpu.memory_space<vmem>>, vector<16xf32>,
      tpu.vector_store %arg9[%swap3A], %gather3A_218 {strides = array<i32>} : memref<4096xf32, #tpu.memory_space<vmem>>, vector<16xf32>,
      %add3A_681 = arith.constant 16 : i32
      %add3A_682 = arith.addi %mul3A_53, %add3A_681 : i32
      %swap3A_683 = arith.index_cast %add3A_682 : i32 to index
      %swap3A_684 = tpu.vector_load %arg9[%swap3A_683] {strides = array<i32>} : memref<4096xf32, #tpu.memory_space<vmem>>, vector<16xf32>,
      tpu.vector_store %arg9[%swap3A_683], %gather3A_371 {strides = array<i32>} : memref<4096xf32, #tpu.memory_space<vmem>>, vector<16xf32>,
      %add3A_685 = arith.constant 32 : i32
      %add3A_686 = arith.addi %mul3A_53, %add3A_685 : i32
      %swap3A_687 = arith.index_cast %add3A_686 : i32 to index
      %swap3A_688 = tpu.vector_load %arg9[%swap3A_687] {strides = array<i32>} : memref<4096xf32, #tpu.memory_space<vmem>>, vector<16xf32>,
      tpu.vector_store %arg9[%swap3A_687], %gather3A_524 {strides = array<i32>} : memref<4096xf32, #tpu.memory_space<vmem>>, vector<16xf32>,
      %add3A_689 = arith.constant 48 : i32
      %add3A_690 = arith.addi %mul3A_53, %add3A_689 : i32
      %swap3A_691 = arith.index_cast %add3A_690 : i32 to index
      %swap3A_692 = tpu.vector_load %arg9[%swap3A_691] {strides = array<i32>} : memref<4096xf32, #tpu.memory_space<vmem>>, vector<16xf32>,
      tpu.vector_store %arg9[%swap3A_691], %gather3A_677 {strides = array<i32>} : memref<4096xf32, #tpu.memory_space<vmem>>, vector<16xf32>,
    }
    %scan3A_50 = arith.constant 64 : i32
    "tpu.region"() ({
      %run_scoped3A = tpu.sem_alloc : memref<!tpu.dma_semaphore, #tpu.memory_space<semaphore_mem>>
      %dma_start3A = tpu.memref_slice %arg5[%mul3A_2] : memref<131072xf32, #tpu.memory_space<hbm>> -> memref<4096xf32, #tpu.memory_space<hbm>>
      %dma_start3A_51 = tpu.memref_slice %arg5[%mul3A_2] : memref<131072xf32, #tpu.memory_space<hbm>> -> memref<4096xf32, #tpu.memory_space<hbm>>
      tpu.enqueue_dma source(%arg9 : memref<4096xf32, #tpu.memory_space<vmem>>) target(%dma_start3A_51 : memref<4096xf32, #tpu.memory_space<hbm>>) target_semaphore(%run_scoped3A : memref<!tpu.dma_semaphore, #tpu.memory_space<semaphore_mem>>)
      %dma_wait3A = tpu.memref_slice %arg5[%mul3A_2] : memref<131072xf32, #tpu.memory_space<hbm>> -> memref<4096xf32, #tpu.memory_space<hbm>>
      %dma_wait3A_52 = tpu.memref_slice %arg5[%mul3A_2] : memref<131072xf32, #tpu.memory_space<hbm>> -> memref<4096xf32, #tpu.memory_space<hbm>>
      tpu.wait_dma2 semaphore(%run_scoped3A : memref<!tpu.dma_semaphore, #tpu.memory_space<semaphore_mem>>) src(%arg9 : memref<4096xf32, #tpu.memory_space<vmem>>) dst(%dma_wait3A_52 : memref<4096xf32, #tpu.memory_space<hbm>>)
      tpu.yield
    }) : () -> ()
    return
  }
}

module attributes {stable_mosaic.version = 14 : i64} {
  func.func @_prep_body(%arg0: memref<512x128xf32, #tpu.memory_space<vmem>>, %arg1: memref<8x512xf32, #tpu.memory_space<vmem>>, %arg2: memref<8x512xf32, #tpu.memory_space<vmem>>) attributes {dimension_semantics = [], scalar_prefetch = 0 : i64, scratch_operands = 0 : i64, tpu.core_type = #tpu.core_type<tc>} {
    %get3A = arith.constant 0 : index
    %get3A_0 = arith.constant 0 : index
    %get3A_1 = vector.load %arg0[%get3A, %get3A_0] : memref<512x128xf32, #tpu.memory_space<vmem>>, vector<512x1xf32>
    %broadcast_in_dim3A = vector.shape_cast %get3A_1 : vector<512x1xf32> to vector<512x1xf32>
    %broadcast_in_dim3A_2 = vector.broadcast %broadcast_in_dim3A : vector<512x1xf32> to vector<512x512xf32>
    %get3A_3 = arith.constant 0 : index
    %get3A_4 = arith.constant 0 : index
    %get3A_5 = vector.load %arg1[%get3A_3, %get3A_4] : memref<8x512xf32, #tpu.memory_space<vmem>>, vector<1x512xf32>
    %broadcast_in_dim3A_6 = vector.shape_cast %get3A_5 : vector<1x512xf32> to vector<1x512xf32>
    %broadcast_in_dim3A_7 = vector.broadcast %broadcast_in_dim3A_6 : vector<1x512xf32> to vector<512x512xf32>
    %iota3A = tpu.iota {dimensions = array<i32: 1>} : vector<512x512xi32>
    %iota3A_8 = tpu.iota {dimensions = array<i32: 0>} : vector<512x512xi32>
    %lt3A = arith.cmpf olt, %broadcast_in_dim3A_7, %broadcast_in_dim3A_2 : vector<512x512xf32>
    %eq3A = arith.cmpf oeq, %broadcast_in_dim3A_7, %broadcast_in_dim3A_2 : vector<512x512xf32>
    %lt3A_9 = arith.cmpi slt, %iota3A, %iota3A_8 : vector<512x512xi32>
    %and3A = arith.andi %eq3A, %lt3A_9 : vector<512x512xi1>
    %or3A = arith.ori %lt3A, %and3A : vector<512x512xi1>
    %convert_element_type3A = arith.extui %or3A : vector<512x512xi1> to vector<512x512xi32>
    %convert_element_type3A_10 = arith.sitofp %convert_element_type3A : vector<512x512xi32> to vector<512x512xf32>
    %reduce_sum3A = arith.constant dense<0.000000e+00> : vector<512xf32>
    %reduce_sum3A_11 = vector.multi_reduction <add>, %convert_element_type3A_10, %reduce_sum3A [1] : vector<512x512xf32> to vector<512xf32>
    %broadcast_in_dim3A_12 = vector.shape_cast %reduce_sum3A_11 : vector<512xf32> to vector<512x1xf32>
    %broadcast_in_dim3A_13 = vector.shape_cast %broadcast_in_dim3A_12 : vector<512x1xf32> to vector<512x1xf32>
    %broadcast_in_dim3A_14 = vector.broadcast %broadcast_in_dim3A_13 : vector<512x1xf32> to vector<512x512xf32>
    %convert_element_type3A_15 = arith.sitofp %iota3A : vector<512x512xi32> to vector<512x512xf32>
    %eq3A_16 = arith.cmpf oeq, %broadcast_in_dim3A_14, %convert_element_type3A_15 : vector<512x512xf32>
    %convert_element_type3A_17 = arith.extui %eq3A_16 : vector<512x512xi1> to vector<512x512xi32>
    %convert_element_type3A_18 = arith.sitofp %convert_element_type3A_17 : vector<512x512xi32> to vector<512x512xf32>
    %add3A = arith.constant 1.000000e+00 : f32
    %add3A_19 = vector.broadcast %add3A : f32 to vector<512x512xf32>
    %add3A_20 = arith.addf %convert_element_type3A_15, %add3A_19 : vector<512x512xf32>
    %eq3A_21 = arith.cmpf oeq, %broadcast_in_dim3A_14, %add3A_20 : vector<512x512xf32>
    %convert_element_type3A_22 = arith.extui %eq3A_21 : vector<512x512xi1> to vector<512x512xi32>
    %convert_element_type3A_23 = arith.sitofp %convert_element_type3A_22 : vector<512x512xi32> to vector<512x512xf32>
    %mul3A = arith.mulf %convert_element_type3A_18, %broadcast_in_dim3A_2 : vector<512x512xf32>
    %reduce_sum3A_24 = arith.constant dense<0.000000e+00> : vector<512xf32>
    %reduce_sum3A_25 = vector.multi_reduction <add>, %mul3A, %reduce_sum3A_24 [0] : vector<512x512xf32> to vector<512xf32>
    %broadcast_in_dim3A_26 = vector.shape_cast %reduce_sum3A_25 : vector<512xf32> to vector<1x512xf32>
    %mul3A_27 = arith.mulf %convert_element_type3A_23, %broadcast_in_dim3A_2 : vector<512x512xf32>
    %reduce_sum3A_28 = arith.constant dense<0.000000e+00> : vector<512xf32>
    %reduce_sum3A_29 = vector.multi_reduction <add>, %mul3A_27, %reduce_sum3A_28 [0] : vector<512x512xf32> to vector<512xf32>
    %broadcast_in_dim3A_30 = vector.shape_cast %reduce_sum3A_29 : vector<512xf32> to vector<1x512xf32>
    %add3A_31 = arith.addf %broadcast_in_dim3A_26, %broadcast_in_dim3A_30 : vector<1x512xf32>
    %mul3A_32 = arith.constant 5.000000e-01 : f32
    %mul3A_33 = vector.broadcast %mul3A_32 : f32 to vector<1x512xf32>
    %mul3A_34 = arith.mulf %mul3A_33, %add3A_31 : vector<1x512xf32>
    %iota3A_35 = tpu.iota {dimensions = array<i32: 1>} : vector<1x512xi32>
    %eq3A_36 = arith.constant 511 : i32
    %eq3A_37 = vector.broadcast %eq3A_36 : i32 to vector<1x512xi32>
    %eq3A_38 = arith.cmpi eq, %iota3A_35, %eq3A_37 : vector<1x512xi32>
    %jit3A = arith.constant 0x7F800000 : f32
    %broadcast_in_dim3A_39 = vector.broadcast %jit3A : f32 to vector<1x512xf32>
    %select_n3A = arith.select %eq3A_38, %broadcast_in_dim3A_39, %mul3A_34 : vector<1x512xi1>, vector<1x512xf32>
    %broadcast_in_dim3A_40 = vector.shape_cast %broadcast_in_dim3A_26 : vector<1x512xf32> to vector<1x512xf32>
    %broadcast_in_dim3A_41 = vector.broadcast %broadcast_in_dim3A_40 : vector<1x512xf32> to vector<4x512xf32>
    %broadcast_in_dim3A_42 = vector.shape_cast %select_n3A : vector<1x512xf32> to vector<1x512xf32>
    %broadcast_in_dim3A_43 = vector.broadcast %broadcast_in_dim3A_42 : vector<1x512xf32> to vector<4x512xf32>
    %concatenate3A = tpu.concatenate %broadcast_in_dim3A_41, %broadcast_in_dim3A_43 in 0 : vector<4x512xf32>, vector<4x512xf32> -> vector<8x512xf32>
    %swap3A = arith.constant 0 : index
    %swap3A_44 = arith.constant 0 : index
    %swap3A_45 = vector.load %arg2[%swap3A, %swap3A_44] : memref<8x512xf32, #tpu.memory_space<vmem>>, vector<8x512xf32>
    tpu.vector_store %arg2[%swap3A, %swap3A_44], %concatenate3A {strides = array<i32>} : memref<8x512xf32, #tpu.memory_space<vmem>>, vector<8x512xf32>,
    return
  }
}

module attributes {stable_mosaic.version = 14 : i64} {
  func.func @_mm_body(%arg0: memref<64x2048xf32, #tpu.memory_space<vmem>>, %arg1: memref<1000x2048xf32, #tpu.memory_space<vmem>>, %arg2: memref<8x1000xf32, #tpu.memory_space<vmem>>, %arg3: memref<64x1000xf32, #tpu.memory_space<vmem>>) attributes {dimension_semantics = [], scalar_prefetch = 0 : i64, scratch_operands = 0 : i64, tpu.core_type = #tpu.core_type<tc>} {
    %get3A = arith.constant 0 : index
    %get3A_0 = arith.constant 0 : index
    %get3A_1 = vector.load %arg0[%get3A, %get3A_0] : memref<64x2048xf32, #tpu.memory_space<vmem>>, vector<64x2048xf32>
    %get3A_2 = arith.constant 0 : index
    %get3A_3 = arith.constant 0 : index
    %get3A_4 = vector.load %arg1[%get3A_2, %get3A_3] : memref<1000x2048xf32, #tpu.memory_space<vmem>>, vector<1000x2048xf32>
    %dot_general3A = arith.constant dense<0.000000e+00> : vector<64x1000xf32>
    %dot_general3A_5 = tpu.matmul %get3A_1, %get3A_4, %dot_general3A {dimension_numbers = #tpu.dot_dimension_numbers<[1], [1], [0], [0], [0, 0, 1, 0], [], []>, transpose_lhs_hint = false} : vector<64x2048xf32>, vector<1000x2048xf32>, vector<64x1000xf32> -> vector<64x1000xf32>
    %get3A_6 = arith.constant 0 : index
    %get3A_7 = arith.constant 0 : index
    %get3A_8 = vector.load %arg2[%get3A_6, %get3A_7] : memref<8x1000xf32, #tpu.memory_space<vmem>>, vector<1x1000xf32>
    %broadcast_in_dim3A = vector.shape_cast %get3A_8 : vector<1x1000xf32> to vector<1x1000xf32>
    %broadcast_in_dim3A_9 = vector.broadcast %broadcast_in_dim3A : vector<1x1000xf32> to vector<64x1000xf32>
    %add3A = arith.addf %dot_general3A_5, %broadcast_in_dim3A_9 : vector<64x1000xf32>
    %swap3A = arith.constant 0 : index
    %swap3A_10 = arith.constant 0 : index
    %swap3A_11 = vector.load %arg3[%swap3A, %swap3A_10] : memref<64x1000xf32, #tpu.memory_space<vmem>>, vector<64x1000xf32>
    tpu.vector_store %arg3[%swap3A, %swap3A_10], %add3A {strides = array<i32>} : memref<64x1000xf32, #tpu.memory_space<vmem>>, vector<64x1000xf32>,
    return
  }
}

</mosaic_0001>

<sc_bundles>
// kernel: kernel.5.cloned.1.call-start
scs
__scs_entry_jumppad:
0x0: {  	(pc) =	sbr.rel $0x88, $3  }
0x1: {  	(tag) =	ssettag $0x0;
	lr =	simm.s32 $0x1  }
0x2: {  	[smem:$0x3F9D] =	sst lr;
	_ =	strace $0xD0000000  }
0x3: {  	_ = 	snop  }
0x4: {  	_ = 	snop  }
0x5: {  	_ = 	snop  }
0x6: {  	_ = 	snop  }
0x7: {  	_ = 	snop  }
__scs_overlays_trampoline_lowered:
0x8: {  	[smem:$0x3FAC] =	sst s0  }
0x9: {  	[smem:$0x3FAD] =	sst s1  }
0xa: {  	[smem:$0x3FAE] =	sst s2  }
0xb: {  	[smem:$0x3FAF] =	sst s3  }
0xc: {  	[smem:$0x3FB0] =	sst s4  }
0xd: {  	[smem:$0x3FB1] =	sst s5  }
0xe: {  	[smem:$0x3FB2] =	sst s6  }
0xf: {  	[smem:$0x3FB3] =	sst s7  }
0x10: {  	[smem:$0x3FB4] =	sst s8  }
0x11: {  	[smem:$0x3FB5] =	sst s9;
	s0 =	simm.s32 @!p0 $0x0  }
0x12: {  	s1 =	sld [smem:$0x3F9B];
	s0 =	simm.s32 @p0 $0x1  }
0x13: {  	[smem:$0x3FB6] =	sst s0;
	s0 =	simm.s32 @!p1 $0x0  }
0x14: {  	s2 =	sld [smem:$0x3F9A];
	s0 =	simm.s32 @p1 $0x1  }
0x15: {  	[smem:$0x3FB7] =	sst s0;
	s0 =	simm.s32 @!p2 $0x0  }
0x16: {  	s3 =	sld [smem:$0x3FDB];
	s0 =	simm.s32 @p2 $0x1  }
0x17: {  	s4 =	simm.s32 $0x1BF5;
	[smem:$0x3FB9] =	sst s0  }
0x18: {  	s0 =	sld [smem:$0x3F9C];
	_ =	swait.ge [sflag:s4], $0x0  }
0x19: {  	s7 =	sld [smem:$0x3F9D]  }
0x1a: {  	s8 =	sadd.s32 $0xFFFFE003, lr  }
0x1b: {  	s9 =	sadd.s32 $0xFFFFFEF7, lr;
	s5 =	simm.s32 $0xFFFFFFFF;
	p2 =	slt.u32 s8, $0xFFFFF086  }
0x1c: {  	p1 =	slt.u32 s9, $0xF7A;
	s5 =	simm.s32 @!p2 $0x0  }
0x1d: {  	s5 =	simm.s32 @p1 $0x1;
	p0 =	seq.s32 s7, s2  }
0x1e: {  	s7 =	smul.u32 @!p0 $0xF7A, s2;
	p2 =	seq.s32 @!p0 s5, $0x0  }
0x1f: {  	s9 =	smul.u32 $0xF7A, s1;
	s8 =	simm.s32 @!p0 $0x1BF5;
	p2 =	por !p2, p0  }
0x20: {  	[sflag:s8] =	ssyncset.s32 @!p0 $0xFFFFF086;
	s6 =	sadd.s32 @!p0 s3, s7;
	s7 =	simm.s32 @!p0 $0x108  }
0x21: {  	s3 =	sadd.s32 s3, s9;
	s6 =	sadd.s32 @!p0 $0x88, s6;
	s7 =	simm.s32 @p2 $0x1082  }
0x22: {  	[simem:s7], [sflag:s8] =	dma.local @!p0 [hbm:s6], $0xF7A  }
0x23: {  	s9 =	sor.u32 $0xD0000000, s2;
	s6 =	simm.s32 $0x108;
	_ =	swait.ge @!p0 [sflag:s8], $0x0  }
0x24: {  	s3 =	sadd.s32 $0x88, s3;
	s6 =	simm.s32 @!p1 $0x1082;
	[sflag:s4] =	ssyncset.s32 $0xFFFFF086  }
0x25: {  	[simem:s6], [sflag:s4] =	dma.local [hbm:s3], $0xF7A  }
0x26: {  	[smem:$0x3F9D] =	sst s1;
	(tag) =	ssettag s2;
	_ =	strace s9  }
0x27: {  	s1 =	sld [smem:$0x3FAD]  }
0x28: {  	s2 =	sld [smem:$0x3FAE]  }
0x29: {  	s4 =	sld [smem:$0x3FB0]  }
0x2a: {  	p0 =	seq.s32 s5, $0x0;
	s5 =	sld [smem:$0x3FB1]  }
0x2b: {  	s6 =	sld [smem:$0x3FB2]  }
0x2c: {  	s7 =	sld [smem:$0x3FB3]  }
0x2d: {  	s3 =	simm.s32 $0x108;
	s8 =	sld [smem:$0x3FB4]  }
0x2e: {  	s3 =	simm.s32 @!p0 $0x1082;
	s9 =	sld [smem:$0x3FB5]  }
0x2f: {  	lr =	sadd.s32 s0, s3;
	s0 =	sld [smem:$0x3FAC]  }
0x30: {  	s3 =	sld [smem:$0x3FAF]  }
0x31: {  	[smem:$0x3FB8] =	sst s10  }
0x32: {  	s10 =	sld [smem:$0x3FB6];
	_ =	sdelay $0x3  }
0x33: {  	p0 =	seq.s32 s10, $0x1;
	s10 =	sld [smem:$0x3FB8];
	_ =	sdelay $0x3  }
0x34: {  	[smem:$0x3FB8] =	sst s10  }
0x35: {  	s10 =	sld [smem:$0x3FB7];
	_ =	sdelay $0x3  }
0x36: {  	p1 =	seq.s32 s10, $0x1;
	s10 =	sld [smem:$0x3FB8];
	_ =	sdelay $0x3  }
0x37: {  	[smem:$0x3FB8] =	sst s10  }
0x38: {  	s10 =	sld [smem:$0x3FB9]  }
0x39: {  	_ = 	snop;
	(pc) =	sbr.ind lr, $3  }
0x3a: {  	_ = 	snop  }
0x3b: {  	_ = 	snop  }
0x3c: {  	p2 =	seq.s32 s10, $0x1;
	s10 =	sld [smem:$0x3FB8]  }
0x3d: {  	_ =	shalt  }
0x3e: {  	_ =	shalt  }
0x3f: {  	_ =	shalt  }
0x40: {  	_ =	shalt  }
0x41: {  	_ =	shalt  }
0x42: {  	_ =	shalt  }
0x43: {  	_ =	shalt  }
0x44: {  	_ =	shalt  }
0x45: {  	_ =	shalt  }
0x46: {  	_ =	shalt  }
0x47: {  	_ =	shalt  }
0x48: {  	_ =	shalt  }
0x49: {  	_ =	shalt  }
0x4a: {  	_ =	shalt  }
0x4b: {  	_ =	shalt  }
0x4c: {  	_ =	shalt  }
0x4d: {  	_ =	shalt  }
0x4e: {  	_ =	shalt  }
0x4f: {  	_ =	shalt  }
0x50: {  	_ =	shalt  }
0x51: {  	_ =	shalt  }
0x52: {  	_ =	shalt  }
0x53: {  	_ =	shalt  }
0x54: {  	_ =	shalt  }
0x55: {  	_ =	shalt  }
0x56: {  	_ =	shalt  }
0x57: {  	_ =	shalt  }
0x58: {  	_ =	shalt  }
0x59: {  	_ =	shalt  }
0x5a: {  	_ =	shalt  }
0x5b: {  	_ =	shalt  }
0x5c: {  	_ =	shalt  }
0x5d: {  	_ =	shalt  }
0x5e: {  	_ =	shalt  }
0x5f: {  	_ =	shalt  }
0x60: {  	_ =	shalt  }
0x61: {  	_ =	shalt  }
0x62: {  	_ =	shalt  }
0x63: {  	_ =	shalt  }
0x64: {  	_ =	shalt  }
0x65: {  	_ =	shalt  }
0x66: {  	_ =	shalt  }
0x67: {  	_ =	shalt  }
0x68: {  	_ =	shalt  }
0x69: {  	_ =	shalt  }
0x6a: {  	_ =	shalt  }
0x6b: {  	_ =	shalt  }
0x6c: {  	_ =	shalt  }
0x6d: {  	_ =	shalt  }
0x6e: {  	_ =	shalt  }
0x6f: {  	_ =	shalt  }
0x70: {  	_ =	shalt  }
0x71: {  	_ =	shalt  }
0x72: {  	_ =	shalt  }
0x73: {  	_ =	shalt  }
0x74: {  	_ =	shalt  }
0x75: {  	_ =	shalt  }
0x76: {  	_ =	shalt  }
0x77: {  	_ =	shalt  }
0x78: {  	_ =	shalt  }
0x79: {  	_ =	shalt  }
0x7a: {  	_ =	shalt  }
0x7b: {  	_ =	shalt  }
0x7c: {  	_ =	shalt  }
0x7d: {  	_ =	shalt  }
0x7e: {  	_ =	shalt  }
0x7f: {  	_ =	shalt  }
0x80: {  	_ =	shalt  }
0x81: {  	_ =	shalt  }
0x82: {  	_ =	shalt  }
0x83: {  	_ =	shalt  }
0x84: {  	_ =	shalt  }
0x85: {  	_ =	shalt  }
0x86: {  	_ =	shalt  }
0x87: {  	_ =	shalt  }
.Lfunc_end0:
.L_simem_size_0:
called_computation_lowered:
.L_overlay_start_0:
0x88: {  	s2 =	sld [smem:$0x3FD9]  }
0x89: {  	s3 =	sld [smem:$0x3FFE];
	_ =	sdelay $0x1  }
0x8a: {  	s1 =	srdreg.scid  }
0x8b: {  	s0 =	sand.u32 $0x1, s1  }
0x8c: {  	s17 =	sshll.u32 s0, $0xA;
	s2 =	sadd.s32 s3, s2  }
0x8d: {  	s2 =	sadd.s32 s2, s17  }
0x8e: {  	[smem:$0x3FC4] =	sst s2  }
0x8f: {  	_ = 	snop  }
0x90: {  	s2 =	sld [smem:$0x3FD0];
	(tm) =	ssettm $0x1  }
0x91: {  	s18 =	sld [smem:$0x3FFB];
	_ =	sdelay $0x3  }
0x92: {  	_ =	strace s18  }
0x93: {  	s3 =	sld [smem:$0x3FFC];
	_ =	sdelay $0x3  }
0x94: {  	_ =	strace s3  }
0x95: {  	s3 =	sld [smem:$0x3FFD];
	_ =	sdelay $0x3  }
0x96: {  	_ =	strace s3  }
0x97: {  	_ =	strace $0x8FFFFFFF  }
0x98: {  	s19 =	sld [smem:$0x3FDB];
	_ =	sdelay $0x1  }
0x99: {  	s4 =	simm.s32 $_scs_section_size  }
0x9a: {  	s5 =	simm.s32 $_size__tile_overlayer_lowered;
	s6 =	simm.s32 $_tile_overlayer_lowered  }
0x9b: {  	s22 =	simm.s32 $0x1BFF;
	s21 =	sshll.u32 s6, $0x1;
	s3 =	sadd.s32 s4, s19  }
0x9c: {  	s7 =	simm.s32 $0x0;
	s20 =	sshll.u32 s5, $0x1;
	s5 =	sadd.s32 s21, s3  }
0x9d: {  	[timem:s7], [sflag:s22] =	dma.local [hbm:s5], s20  }
0x9e: {  	_ =	swait.ge [sflag:s22], s20  }
0x9f: {  	s4 =	ssub.s32 $0x0, s20;
	[sflag:s22] =	ssyncset.done $0x0  }
0xa0: {  	[sflag:s22] =	ssyncadd.s32 s4;
	_ =	sdelay $0x1  }
0xa1: {  	s23 =	simm.s32 $0x1B8B  }
0xa2: {  	_ =	swait.ge [sflag:s23], $0x1  }
0xa3: {  	[sflag:s23] =	ssyncset.done $0x0  }
0xa4: {  	s25 =	simm.s32 $0x1B8E;
	s24 =	sld [smem:$0x3FFE];
	[sflag:s23] =	ssyncadd.s32 $0xFFFFFFFF  }
0xa5: {  	s26 =	simm.s32 $execute0_lowered;
	[smem:$0x3FD2] =	sst s25  }
0xa6: {  	s5 =	sshll.u32 s26, $0x1;
	_ =	strace $0x80000046;
	[dreg:$0x1] =	wrdreg $0xFFFFFFFF  }
0xa7: {  	s28 =	simm.s32 $_size_execute0_lowered;
	s3 =	sadd.s32 s3, s5;
	[dreg:$0x0] =	wrdreg $0x0  }
0xa8: {  	s5 =	sshll.u32 s28, $0x1;
	[dreg:$0x2] =	wrdreg s3  }
0xa9: {  	[dreg:$0x3] =	wrdreg s5  }
0xaa: {  	[dreg:$0x4] =	wrdreg $0xC0  }
0xab: {  	_ =	task [dreg:s7], $0x5FFFF  }
0xac: {  	[dreg:$0x1] =	wrdreg $0xFFFFFFFF  }
0xad: {  	[dreg:$0x0] =	wrdreg $0x60  }
0xae: {  	[dreg:$0x2] =	wrdreg s24  }
0xaf: {  	[dreg:$0x3] =	wrdreg s2  }
0xb0: {  	[dreg:$0x4] =	wrdreg $0x9  }
0xb1: {  	_ =	task.clear_ibuf [dreg:s7], $0x5FFFF;
	_ =	strace $0x90000046  }
0xb2: {  	s29 =	simm.s32 $0x9;
	_ =	strace $0x80000048  }
0xb3: {  	_ =	swait.ge [sflag:s29], $0x1  }
0xb4: {  	[sflag:s29] =	ssyncadd.s32 $0xFFFFFFFF  }
0xb5: {  	_ =	strace $0x90000048  }
0xb6: {  	_ =	sfence  }
0xb7: {  	s30 =	sld [smem:$0x0];
	_ =	sdelay $0x2  }
0xb8: {  	s31 =	sshll.u32 s1, $0xD;
	s1 =	sshrl.u32 s1, $0x2  }
0xb9: {  	s3 =	sand.u32 $0x4000, s31;
	s1 =	sadd.s32 s1, s30  }
0xba: {  	s0 =	sor.u32 s3, s0;
	s1 =	sshll.u32 s1, $0x11  }
0xbb: {  	s0 =	sor.u32 s1, s0  }
0xbc: {  	s0 =	sadd.s32 $0x8F2B, s0  }
0xbd: {  	[sflag:s0] =	ssyncadd.remote.s32 $0x1  }
0xbe: {  	_ =	sfence.sel $0xFFFF  }
0xbf: {  	[dreg:$0x0] =	wrdreg $0xFFFFFFFF;
	(pc) =	sbr.abs _section_cstart, $3  }
0xc0: {  	[dreg:$0x1] =	wrdreg $0xFFFFFFFF  }
0xc1: {  	_ =	task.clear_ibuf [dreg:s7], $0x2FFFF;
	_ =	strace $0x9FFFFFFF  }
0xc2: {  	(tm) =	ssettm $0x7FFFFFFF  }
0xc3: {  	_ =	shalt  }
tec
execute0_lowered:
.L_overlay_start_1:
0x0: {  	(tag) =	ssettag $0x1  }
0x1: {  	s5 =	rddreg [dreg:$0x0]  }
0x2: {  	s2 =	rddreg [dreg:$0x1]  }
0x3: {  	s0 =	rddreg [dreg:$0x2];
	s4 =	srdreg.scid  }
0x4: {  	s3 =	simm.s32 $0x0;
	s1 =	stileid.u32;
	s8 =	simm.s32 $0x1  }
0x5: {  	v0 =	vimm.s32 $0x1F;
	s9 =	simm.s32 $0x1000;
	s10 =	simm.s32 $0x1200;
	s11 =	simm.s32 $0x1400  }
0x6: {  	v1 =	vimm.s32 $0x3F;
	v2 =	vimm.s32 $0x5F;
	v3 =	vimm.s32 $0x7F;
	s12 =	simm.s32 $0x0;
	s4 =	sand.u32 $0x1, s4;
	[smem:$0x7FF] =	sst s3  }
0x7: {  	v4 =	vimm.s32 $0x9F;
	v5 =	vimm.s32 $0xBF;
	v6 =	vimm.s32 $0xDF;
	s6 =	sshll.u32 s1, $0xA;
	s7 =	sshll.u32 s4, $0x9;
	s30 =	ssub.s32 $0x2, s4  }
0x8: {  	v7 =	vimm.s32 $0xFF;
	v8 =	vimm.s32 $0x11F;
	v9 =	vimm.s32 $0x13F;
	_ =	strace $0x80000047;
	s6 =	sor.u32 s7, s6;
	s31 =	sshrl.u32 s30, $0x1  }
0x9: {  	v10 =	vimm.s32 $0x15F;
	v11 =	vimm.s32 $0x17F;
	v12 =	vimm.s32 $0x19F;
	s4 =	sadd.s32 $0x800, s5;
	s6 =	sadd.s32 s6, s5;
	s7 =	ssub.s32 s30, s31  }
0xa: {  	v13 =	vimm.s32 $0x1BF;
	v14 =	vimm.s32 $0x1DF;
	v15 =	vimm.s32 $0x0;
	s5 =	sadd.s32 $0xA00, s6;
	s6 =	sadd.s32 $0x4A00, s6;
	s7 =	smax.u32 s7, $0x1  }
.LBB2_1:
0xb: {  	[tilespmem:s3], [sflag:$0x1] =	stream.linear.gather [hbm4b:s5+s3], $0x1000, $0x38;
	[tilespmem:$0x2400] =	vst v63  }
0xc: {  	_ =	swait.ge [sflag:s8], $0x1000  }
0xd: {  	[sflag:s8] =	ssyncset.done $0x0  }
0xe: {  	[sflag:s8] =	ssyncadd.s32 $0xFFFFF000  }
0xf: {  	[tilespmem:s9], [sflag:$0x1] =	stream.linear.gather [hbm4b:s4+s3], $0x200, $0x38;
	[tilespmem:$0x2400] =	vst v63  }
0x10: {  	_ =	swait.ge [sflag:s8], $0x200  }
0x11: {  	[sflag:s8] =	ssyncset.done $0x0  }
0x12: {  	[sflag:s8] =	ssyncadd.s32 $0xFFFFFE00  }
0x13: {  	[tilespmem:s10], [sflag:$0x1] =	stream.linear.gather [hbm4b:s2+s3], $0x200, $0x38;
	[tilespmem:$0x2400] =	vst v63  }
0x14: {  	_ =	swait.ge [sflag:s8], $0x200  }
0x15: {  	[sflag:s8] =	ssyncset.done $0x0  }
0x16: {  	[sflag:s8] =	ssyncadd.s32 $0xFFFFFE00  }
0x17: {  	v16 =	vld.idx.msk [tilespmem:v0+s10+$0x0], $0xffff  }
0x18: {  	v17 =	vld.idx.msk [tilespmem:v1+s10+$0x0], $0xffff  }
0x19: {  	v18 =	vld.idx.msk [tilespmem:v2+s10+$0x0], $0xffff  }
0x1a: {  	v19 =	vld.idx.msk [tilespmem:v3+s10+$0x0], $0xffff  }
0x1b: {  	v20 =	vld.idx.msk [tilespmem:v4+s10+$0x0], $0xffff  }
0x1c: {  	v21 =	vld.idx.msk [tilespmem:v5+s10+$0x0], $0xffff  }
0x1d: {  	v22 =	vld.idx.msk [tilespmem:v6+s10+$0x0], $0xffff  }
0x1e: {  	v23 =	vld.idx.msk [tilespmem:v7+s10+$0x0], $0xffff  }
0x1f: {  	v24 =	vld.idx.msk [tilespmem:v8+s10+$0x0], $0xffff  }
0x20: {  	v25 =	vld.idx.msk [tilespmem:v9+s10+$0x0], $0xffff  }
0x21: {  	v26 =	vld.idx.msk [tilespmem:v10+s10+$0x0], $0xffff  }
0x22: {  	v27 =	vld.idx.msk [tilespmem:v11+s10+$0x0], $0xffff  }
0x23: {  	v28 =	vld.idx.msk [tilespmem:v12+s10+$0x0], $0xffff  }
0x24: {  	v29 =	vld.idx.msk [tilespmem:v13+s10+$0x0], $0xffff  }
0x25: {  	s13 =	simm.s32 $0x0;
	v30 =	vld.idx.msk [tilespmem:v14+s10+$0x0], $0xffff  }
.LBB2_2:
0x26: {  	s14 =	sshra.s32 s13, $0x2  }
0x27: {  	v31 =	vld [tilespmem:s14+$0x0];
	_ =	sdelay $0x4  }
0x28: {  	vm0 =	vlt.f32 v16, v31;
	vm10 =	vlt.f32 v17, v31;
	vm11 =	vlt.f32 v18, v31  }
0x29: {  	vm1 =	vlt.f32 v19, v31;
	vm12 =	vlt.f32 v20, v31;
	vm13 =	vlt.f32 v21, v31  }
0x2a: {  	vm14 =	vlt.f32 v22, v31;
	vm15 =	vlt.f32 v23, v31;
	vm4 =	vlt.f32 v24, v31  }
0x2b: {  	vm5 =	vlt.f32 v25, v31;
	v32 =	vsel vm0, $0x20, v15;
	v33 =	vsel vm10, $0x20, v15  }
0x2c: {  	vm6 =	vlt.f32 v26, v31;
	v34 =	vsel vm11, $0x20, v15;
	v32 =	vadd.s32 v33, v32  }
0x2d: {  	vm7 =	vlt.f32 v27, v31;
	v35 =	vsel vm1, $0x20, v15;
	v32 =	vadd.s32 v34, v32  }
0x2e: {  	vm8 =	vlt.f32 v28, v31;
	v57 =	vsel vm12, $0x20, v15;
	v32 =	vadd.s32 v35, v32  }
0x2f: {  	vm9 =	vlt.f32 v29, v31;
	v58 =	vsel vm13, $0x20, v15;
	v32 =	vadd.s32 v57, v32  }
0x30: {  	v59 =	vsel vm14, $0x20, v15;
	v60 =	vsel vm15, $0x20, v15;
	v34 =	vadd.s32 v58, v32;
	v32 =	vld [tilespmem:s14+$0x10]  }
0x31: {  	v36 =	vsel vm4, $0x20, v15;
	v61 =	vsel vm5, $0x20, v15;
	v34 =	vadd.s32 v59, v34  }
0x32: {  	v62 =	vsel vm6, $0x20, v15;
	v63 =	vsel vm7, $0x20, v15;
	v33 =	vadd.s32 v60, v34  }
0x33: {  	v40 =	vsel vm8, $0x20, v15;
	vm10 =	vlt.f32 v30, v31;
	v33 =	vadd.s32 v36, v33  }
0x34: {  	v41 =	vsel vm9, $0x20, v15;
	v42 =	vsel vm10, $0x20, v15;
	v33 =	vadd.s32 v61, v33  }
0x35: {  	v33 =	vadd.s32 v62, v33;
	vm11 =	vlt.f32 v16, v32;
	vm12 =	vlt.f32 v17, v32  }
0x36: {  	vm13 =	vlt.f32 v18, v32;
	vm14 =	vlt.f32 v19, v32;
	vm15 =	vlt.f32 v20, v32  }
0x37: {  	vm4 =	vlt.f32 v21, v32;
	vm5 =	vlt.f32 v22, v32;
	vm6 =	vlt.f32 v23, v32  }
0x38: {  	vm7 =	vlt.f32 v24, v32;
	vm8 =	vlt.f32 v25, v32;
	vm9 =	vlt.f32 v26, v32  }
0x39: {  	vm10 =	vlt.f32 v27, v32;
	v33 =	vadd.s32 v63, v33;
	v37 =	vsel vm11, $0x20, v15  }
0x3a: {  	v43 =	vsel vm12, $0x20, v15;
	v44 =	vsel vm13, $0x20, v15;
	v33 =	vadd.s32 v40, v33  }
0x3b: {  	v38 =	vsel vm14, $0x20, v15;
	v34 =	vadd.s32 v43, v37;
	v33 =	vadd.s32 v41, v33  }
0x3c: {  	v45 =	vsel vm15, $0x20, v15;
	v35 =	vadd.s32 v42, v33;
	v33 =	vadd.s32 v44, v34  }
0x3d: {  	v46 =	vsel vm4, $0x20, v15;
	v47 =	vsel vm5, $0x20, v15;
	v33 =	vadd.s32 v38, v33  }
0x3e: {  	v48 =	vsel vm6, $0x20, v15;
	v39 =	vsel vm7, $0x20, v15;
	v33 =	vadd.s32 v45, v33  }
0x3f: {  	v49 =	vsel vm8, $0x20, v15;
	v50 =	vsel vm9, $0x20, v15;
	v34 =	vadd.s32 v46, v33;
	v33 =	vld [tilespmem:s14+$0x20]  }
0x40: {  	v51 =	vsel vm10, $0x20, v15;
	vm11 =	vlt.f32 v28, v32;
	v34 =	vadd.s32 v47, v34  }
0x41: {  	vm12 =	vlt.f32 v29, v32;
	vm13 =	vlt.f32 v30, v32;
	v34 =	vadd.s32 v48, v34  }
0x42: {  	v52 =	vsel vm11, $0x20, v15;
	v53 =	vsel vm12, $0x20, v15;
	v34 =	vadd.s32 v39, v34  }
0x43: {  	v54 =	vsel vm13, $0x20, v15;
	v36 =	vadd.s32 $0xF, v35;
	v34 =	vadd.s32 v49, v34  }
0x44: {  	v34 =	vadd.s32 v50, v34;
	vm14 =	vlt.f32 v16, v33;
	vm15 =	vlt.f32 v17, v33  }
0x45: {  	vm4 =	vlt.f32 v18, v33;
	vm5 =	vlt.f32 v19, v33;
	vm6 =	vlt.f32 v20, v33  }
0x46: {  	vm7 =	vlt.f32 v21, v33;
	vm8 =	vlt.f32 v22, v33;
	vm9 =	vlt.f32 v23, v33  }
0x47: {  	vm10 =	vlt.f32 v24, v33;
	vm11 =	vlt.f32 v25, v33;
	vm12 =	vlt.f32 v26, v33  }
0x48: {  	vm13 =	vlt.f32 v27, v33;
	v34 =	vadd.s32 v51, v34;
	v55 =	vsel vm14, $0x20, v15  }
0x49: {  	v56 =	vsel vm15, $0x20, v15;
	v57 =	vsel vm4, $0x20, v15;
	v34 =	vadd.s32 v52, v34  }
0x4a: {  	v41 =	vsel vm5, $0x20, v15;
	v37 =	vadd.s32 v56, v55;
	v34 =	vadd.s32 v53, v34  }
0x4b: {  	v58 =	vsel vm6, $0x20, v15;
	v39 =	vadd.s32 v54, v34;
	v34 =	vadd.s32 v57, v37  }
0x4c: {  	v59 =	vsel vm7, $0x20, v15;
	v60 =	vsel vm8, $0x20, v15;
	v34 =	vadd.s32 v41, v34  }
0x4d: {  	v61 =	vsel vm9, $0x20, v15;
	v42 =	vsel vm10, $0x20, v15;
	v34 =	vadd.s32 v58, v34  }
0x4e: {  	v62 =	vsel vm11, $0x20, v15;
	v63 =	vsel vm12, $0x20, v15;
	v37 =	vadd.s32 v59, v34;
	v34 =	vld [tilespmem:s14+$0x30]  }
0x4f: {  	v45 =	vsel vm13, $0x20, v15;
	vm14 =	vlt.f32 v28, v33;
	v37 =	vadd.s32 v60, v37  }
0x50: {  	vm15 =	vlt.f32 v29, v33;
	vm4 =	vlt.f32 v30, v33;
	v37 =	vadd.s32 v61, v37  }
0x51: {  	v46 =	vsel vm14, $0x20, v15;
	v47 =	vsel vm15, $0x20, v15;
	v37 =	vadd.s32 v42, v37  }
0x52: {  	v48 =	vsel vm4, $0x20, v15;
	v40 =	vadd.s32 $0xF, v39;
	v37 =	vadd.s32 v62, v37  }
0x53: {  	v37 =	vadd.s32 v63, v37;
	vm5 =	vlt.f32 v16, v34;
	vm6 =	vlt.f32 v17, v34  }
0x54: {  	vm7 =	vlt.f32 v18, v34;
	vm8 =	vlt.f32 v19, v34;
	vm9 =	vlt.f32 v20, v34  }
0x55: {  	vm10 =	vlt.f32 v21, v34;
	v49 =	vsel vm5, $0x20, v15;
	v50 =	vsel vm6, $0x20, v15  }
0x56: {  	vm11 =	vlt.f32 v22, v34;
	v51 =	vsel vm7, $0x20, v15;
	v38 =	vadd.s32 v50, v49  }
0x57: {  	vm12 =	vlt.f32 v23, v34;
	v52 =	vsel vm8, $0x20, v15;
	v38 =	vadd.s32 v51, v38  }
0x58: {  	vm13 =	vlt.f32 v24, v34;
	v53 =	vsel vm9, $0x20, v15;
	v38 =	vadd.s32 v52, v38  }
0x59: {  	vm14 =	vlt.f32 v25, v34;
	v54 =	vsel vm10, $0x20, v15;
	v38 =	vadd.s32 v53, v38  }
0x5a: {  	vm15 =	vlt.f32 v26, v34;
	v55 =	vsel vm11, $0x20, v15;
	v38 =	vadd.s32 v54, v38  }
0x5b: {  	vm4 =	vlt.f32 v27, v34;
	v56 =	vsel vm12, $0x20, v15;
	v38 =	vadd.s32 v55, v38  }
0x5c: {  	v37 =	vadd.s32 v45, v37;
	v57 =	vsel vm13, $0x20, v15;
	v38 =	vadd.s32 v56, v38  }
0x5d: {  	v58 =	vsel vm14, $0x20, v15;
	v59 =	vsel vm15, $0x20, v15;
	v38 =	vadd.s32 v57, v38  }
0x5e: {  	v60 =	vsel vm4, $0x20, v15;
	vm5 =	vlt.f32 v28, v34;
	v38 =	vadd.s32 v58, v38  }
0x5f: {  	vm6 =	vlt.f32 v29, v34;
	vm7 =	vlt.f32 v30, v34;
	v38 =	vadd.s32 v59, v38  }
0x60: {  	v37 =	vadd.s32 v46, v37;
	v61 =	vsel vm5, $0x20, v15;
	v38 =	vadd.s32 v60, v38  }
0x61: {  	v62 =	vsel vm6, $0x20, v15;
	v37 =	vadd.s32 v47, v37;
	v38 =	vadd.s32 v61, v38  }
0x62: {  	v63 =	vsel vm7, $0x20, v15;
	v37 =	vadd.s32 v48, v37;
	v38 =	vadd.s32 v62, v38  }
0x63: {  	v42 =	vadd.s32 $0xF, v37;
	v38 =	vadd.s32 v63, v38  }
0x64: {  	v41 =	vadd.s32 $0xF, v38  }
0x65: {  	v36 =	vld.idx.msk [tilespmem:v36+s10+$0x0], $0xffff  }
0x66: {  	v40 =	vld.idx.msk [tilespmem:v40+s10+$0x0], $0xffff;
	_ =	sdelay $0x1  }
0x67: {  	v42 =	vld.idx.msk [tilespmem:v42+s10+$0x0], $0xffff  }
0x68: {  	v41 =	vld.idx.msk [tilespmem:v41+s10+$0x0], $0xffff  }
0x69: {  	v43 =	vadd.s32 $0x10, v35;
	vm8 =	vlt.f32 v36, v31  }
0x6a: {  	v44 =	vadd.s32 $0x10, v39;
	v35 =	vsel vm8, v43, v35;
	vm9 =	vlt.f32 v40, v32  }
0x6b: {  	v45 =	vadd.s32 $0x7, v35;
	v36 =	vsel vm9, v44, v39  }
0x6c: {  	v39 =	vadd.s32 $0x7, v36;
	v46 =	vadd.s32 $0x10, v37;
	vm10 =	vlt.f32 v42, v33  }
0x6d: {  	v37 =	vsel vm10, v46, v37;
	v47 =	vadd.s32 $0x10, v38;
	vm11 =	vlt.f32 v41, v34  }
0x6e: {  	v42 =	vadd.s32 $0x7, v37;
	v38 =	vsel vm11, v47, v38  }
0x6f: {  	v41 =	vadd.s32 $0x7, v38  }
0x70: {  	v40 =	vld.idx.msk [tilespmem:v45+s10+$0x0], $0xffff  }
0x71: {  	v39 =	vld.idx.msk [tilespmem:v39+s10+$0x0], $0xffff;
	_ =	sdelay $0x1  }
0x72: {  	v42 =	vld.idx.msk [tilespmem:v42+s10+$0x0], $0xffff  }
0x73: {  	v41 =	vld.idx.msk [tilespmem:v41+s10+$0x0], $0xffff  }
0x74: {  	v48 =	vadd.s32 $0x8, v35;
	vm12 =	vlt.f32 v40, v31  }
0x75: {  	v49 =	vadd.s32 $0x8, v36;
	v35 =	vsel vm12, v48, v35;
	vm13 =	vlt.f32 v39, v32  }
0x76: {  	v40 =	vadd.s32 $0x3, v35;
	v36 =	vsel vm13, v49, v36  }
0x77: {  	v39 =	vadd.s32 $0x3, v36;
	v50 =	vadd.s32 $0x8, v37;
	vm14 =	vlt.f32 v42, v33  }
0x78: {  	v37 =	vsel vm14, v50, v37;
	v51 =	vadd.s32 $0x8, v38;
	vm15 =	vlt.f32 v41, v34  }
0x79: {  	v42 =	vadd.s32 $0x3, v37;
	v38 =	vsel vm15, v51, v38  }
0x7a: {  	v41 =	vadd.s32 $0x3, v38  }
0x7b: {  	v40 =	vld.idx.msk [tilespmem:v40+s10+$0x0], $0xffff  }
0x7c: {  	v39 =	vld.idx.msk [tilespmem:v39+s10+$0x0], $0xffff;
	_ =	sdelay $0x1  }
0x7d: {  	v42 =	vld.idx.msk [tilespmem:v42+s10+$0x0], $0xffff  }
0x7e: {  	v41 =	vld.idx.msk [tilespmem:v41+s10+$0x0], $0xffff  }
0x7f: {  	v52 =	vadd.s32 $0x4, v35;
	vm4 =	vlt.f32 v40, v31  }
0x80: {  	v53 =	vadd.s32 $0x4, v36;
	v35 =	vsel vm4, v52, v35;
	vm5 =	vlt.f32 v39, v32  }
0x81: {  	v40 =	vadd.s32 $0x1, v35;
	v36 =	vsel vm5, v53, v36  }
0x82: {  	v39 =	vadd.s32 $0x1, v36;
	v54 =	vadd.s32 $0x4, v37;
	vm6 =	vlt.f32 v42, v33  }
0x83: {  	v37 =	vsel vm6, v54, v37;
	v55 =	vadd.s32 $0x4, v38;
	vm7 =	vlt.f32 v41, v34  }
0x84: {  	v42 =	vadd.s32 $0x1, v37;
	v38 =	vsel vm7, v55, v38  }
0x85: {  	v41 =	vadd.s32 $0x1, v38;
	_ =	sdelay $0x1  }
0x86: {  	v40 =	vld.idx.msk [tilespmem:v40+s10+$0x0], $0xffff  }
0x87: {  	v39 =	vld.idx.msk [tilespmem:v39+s10+$0x0], $0xffff  }
0x88: {  	v42 =	vld.idx.msk [tilespmem:v42+s10+$0x0], $0xffff  }
0x89: {  	v41 =	vld.idx.msk [tilespmem:v41+s10+$0x0], $0xffff;
	_ =	sdelay $0x1  }
0x8a: {  	v56 =	vadd.s32 $0x2, v35;
	vm8 =	vlt.f32 v40, v31  }
0x8b: {  	v57 =	vadd.s32 $0x2, v36;
	v35 =	vsel vm8, v56, v35;
	vm9 =	vlt.f32 v39, v32  }
0x8c: {  	v36 =	vsel vm9, v57, v36;
	v58 =	vadd.s32 $0x2, v37;
	vm10 =	vlt.f32 v42, v33  }
0x8d: {  	v37 =	vsel vm10, v58, v37;
	v59 =	vadd.s32 $0x2, v38;
	vm11 =	vlt.f32 v41, v34  }
0x8e: {  	v38 =	vsel vm11, v59, v38;
	_ =	sdelay $0x1  }
0x8f: {  	v60 =	vld.idx.msk [tilespmem:v35+s10+$0x0], $0xffff  }
0x90: {  	v61 =	vld.idx.msk [tilespmem:v36+s10+$0x0], $0xffff  }
0x91: {  	v62 =	vld.idx.msk [tilespmem:v37+s10+$0x0], $0xffff  }
0x92: {  	v63 =	vld.idx.msk [tilespmem:v38+s10+$0x0], $0xffff;
	_ =	sdelay $0x1  }
0x93: {  	vm12 =	vlt.f32 v60, v31  }
0x94: {  	v31 =	vsel vm12, $0x1, v15;
	vm13 =	vlt.f32 v61, v32  }
0x95: {  	v31 =	vadd.s32 v31, v35;
	v32 =	vsel vm13, $0x1, v15;
	vm14 =	vlt.f32 v62, v33  }
0x96: {  	v32 =	vadd.s32 v32, v36;
	v33 =	vsel vm14, $0x1, v15;
	vm15 =	vlt.f32 v63, v34  }
0x97: {  	v33 =	vadd.s32 v33, v37;
	v34 =	vsel vm15, $0x1, v15  }
0x98: {  	v34 =	vadd.s32 v34, v38;
	_ =	sdelay $0x1  }
0x99: {  	v31 =	vld.idx.msk [tilespmem:v31+s9+$0x0], $0xffff  }
0x9a: {  	v32 =	vld.idx.msk [tilespmem:v32+s9+$0x0], $0xffff  }
0x9b: {  	v33 =	vld.idx.msk [tilespmem:v33+s9+$0x0], $0xffff  }
0x9c: {  	p0 =	sne.s32 s13, $0x3F00;
	v34 =	vld.idx.msk [tilespmem:v34+s9+$0x0], $0xffff  }
.Ltmp0:
0x9d: {  	_ = 	snop;
	(pc) =	sbr.rel @p0 .LBB2_2-.Ltmp0, $4  }
0x9e: {  	[tilespmem:s14+$0x1400] =	vst v31  }
0x9f: {  	[tilespmem:s14+$0x1410] =	vst v32  }
0xa0: {  	[tilespmem:s14+$0x1420] =	vst v33  }
0xa1: {  	s13 =	sadd.s32 $0x100, s13;
	[tilespmem:s14+$0x1430] =	vst v34  }
0xa2: {  	s12 =	sadd.s32 $0x1, s12  }
0xa3: {  	p0 =	sne.s32 s12, s7  }
.Ltmp1:
0xa4: {  	_ = 	snop;
	(pc) =	sbr.rel @p0 .LBB2_1-.Ltmp1, $4  }
0xa5: {  	[hbm4b:s6+s3] =	stream.linear.scatter [tilespmem:s11], [sflag:$0x1], $0x1000, $0x38;
	[tilespmem:$0x2400] =	vst v63  }
0xa6: {  	_ =	swait.ge [sflag:s8], $0x1000  }
0xa7: {  	[sflag:s8] =	ssyncset.done $0x0  }
0xa8: {  	[sflag:s8] =	ssyncadd.s32 $0xFFFFF000  }
0xa9: {  	_ =	sfence.sel $0x180000  }
0xaa: {  	[bflag:$0x0] =	sbarrier.arrive $0xFFFF  }
0xab: {  	p0 =	sne.s32 s1, $0x0;
	_ =	strace $0x90000047  }
0xac: {  	s0 =	sadd.s32 @!p0 $0x100000, s0;
	[bflag:$0x2] =	sbarrier.arrive $0xFFFF  }
0xad: {  	[sflag:s0] =	ssyncadd.tile.s32 @!p0 $0x1;
	_ =	shalt  }
.Lfunc_end2:
_tile_overlayer_lowered:
.L_overlay_start_2:
0xae: {  	(tag) =	ssettag $0x2  }
0xaf: {  	s0 =	rddreg [dreg:$0x0];
	s2 =	stileid.u32  }
0xb0: {  	s1 =	rddreg [dreg:$0x1];
	p0 =	sne.s32 s2, $0x0  }
0xb1: {  	s3 =	rddreg [dreg:$0x2];
	[bflag:$0x3] =	sbarrier.arrive $0xFFFF;
	s2 =	simm.s32 @!p0 $0x1C01  }
0xb2: {  	[timem:s3], [sflag:s2] =	dma.local @!p0 [hbm:s0], s1  }
0xb3: {  	s0 =	simm.s32 @!p0 $0x1  }
0xb4: {  	_ =	swait.ge @!p0 [sflag:s0], s1  }
0xb5: {  	s1 =	ssub.s32 @!p0 $0x0, s1;
	[sflag:s0] =	ssyncset.done @!p0 $0x0  }
0xb6: {  	[sflag:s0] =	ssyncadd.s32 @!p0 s1  }
0xb7: {  	[bflag:$0x3] =	sbarrier.arrive $0xFFFF  }
0xb8: {  	_ =	shalt  }

</sc_bundles>
